<compile_context>
chip_gen: v7x
topology: tpu7x:2x2x1
jax: 0.10.2.dev20260603
libtpu: 0.0.44.dev20260713+nightly
codegen_flags: <defaults>
</compile_context>

<pallas_src>
import functools

import jax
import jax.numpy as jnp
from jax import lax
from jax.experimental import pallas as pl
from jax.experimental.pallas import tpu as pltpu
from jax.experimental.pallas import tpu_sc as plsc

NC = 2
NS = 16
NW = NC * NS
CHUNK = 128
NBUF = 4


@functools.lru_cache(maxsize=None)
def _build(n_rows: int, dim: int):
    rows_per_w = n_rows // NW
    n_chunks = rows_per_w // CHUNK
    n_rounds = n_chunks // NBUF
    assert n_rows % (NW * CHUNK * NBUF * 2) == 0
    total_chunk_rows = n_rows // CHUNK

    mesh = plsc.VectorSubcoreMesh(core_axis_name="c", subcore_axis_name="s")

    scratch = [pltpu.VMEM((n_chunks, CHUNK), jnp.int32)]
    scratch += [pltpu.VMEM((CHUNK, dim), jnp.float32) for _ in range(2 * NBUF)]
    scratch += [pltpu.SemaphoreType.DMA for _ in range(2 * NBUF)]
    scratch += [pltpu.SemaphoreType.DMA for _ in range(2 * NBUF)]

    @functools.partial(
        pl.kernel,
        out_type=jax.ShapeDtypeStruct((n_rows, dim), jnp.float32),
        mesh=mesh,
        scratch_types=scratch,
        compiler_params=pltpu.CompilerParams(use_tc_tiling_on_sc=False),
    )
    def emb(idx_hbm, table_hbm, out_hbm, idx_v, *rest):
        bufs = [[rest[2 * b + p] for p in range(2)] for b in range(NBUF)]
        o = 2 * NBUF
        gsem = [[rest[o + 2 * b + p] for p in range(2)] for b in range(NBUF)]
        o = 4 * NBUF
        psem = [[rest[o + 2 * b + p] for p in range(2)] for b in range(NBUF)]

        wid = lax.axis_index("s") * NC + lax.axis_index("c")
        base = wid * rows_per_w
        chunk0 = wid * n_chunks

        pltpu.sync_copy(idx_hbm.at[pl.ds(chunk0, n_chunks)], idx_v)

        def gather(g, b, p):
            return pltpu.async_copy(
                table_hbm.at[idx_v.at[g]], bufs[b][p], gsem[b][p])

        def gather_wait(g, b, p):
            pltpu.make_async_copy(
                table_hbm.at[idx_v.at[g]], bufs[b][p], gsem[b][p]).wait()

        def put(g, b, p):
            return pltpu.async_copy(
                bufs[b][p], out_hbm.at[pl.ds(base + g * CHUNK, CHUNK)],
                psem[b][p])

        def put_wait(g, b, p):
            pltpu.make_async_copy(
                bufs[b][p], out_hbm.at[pl.ds(base + g * CHUNK, CHUNK)],
                psem[b][p]).wait()

        for b in range(NBUF):
            gather(b, b, 0)
        for b in range(NBUF):
            gather_wait(b, b, 0)
            put(b, b, 0)
            gather(NBUF + b, b, 1)

        def round_(r, p):
            for b in range(NBUF):
                g = r * NBUF + b
                gather_wait(g, b, p)
                put(g, b, p)
                put_wait(g - NBUF, b, 1 - p)
                gather(g + NBUF, b, 1 - p)

        def body(k, carry):
            round_(2 * k + 1, 1)
            round_(2 * k + 2, 0)
            return carry

        lax.fori_loop(0, (n_rounds - 2) // 2, body, 0)

        r = n_rounds - 1
        for b in range(NBUF):
            g = r * NBUF + b
            gather_wait(g, b, 1)
            put(g, b, 1)
            put_wait(g - NBUF, b, 0)
        for b in range(NBUF):
            put_wait(r * NBUF + b, b, 1)

    def run(x, weight):
        idx = x.reshape(total_chunk_rows, CHUNK).astype(jnp.int32)
        out = emb(idx, weight)
        return out

    return run


def kernel(x, weight):
    b, h = x.shape
    v, d = weight.shape
    run = _build(b * h, d)
    return run(x, weight).reshape(b, h, d)

# --- scband reference (transcript-rebuilt; emitter-appended) ---
"""Pipeline reference for scband-parallel-embedding-15410342658052 (READ-ONLY COPY).

The authoritative reference and input builder live on the scoring server;
editing this copy changes nothing except your own understanding.
"""

import jax, jax.numpy as jnp
import numpy as np

VOCAB = 1000000
DIM = 64
BATCH = 16384
HIST = 20

def setup_inputs(seed: int = 0) -> dict:
    key = jax.random.key(seed)
    k_idx, k_w = jax.random.split(key)
    x = jax.random.randint(k_idx, (BATCH, HIST), 0, VOCAB, dtype=jnp.int64)
    weight = jax.random.normal(k_w, (VOCAB, DIM), dtype=jnp.float32) * 0.02
    return {"x": x, "weight": weight}

def reference(x, weight):
    # F.embedding(x, weight) -> gather rows of weight by index
    out = jnp.take(weight, x, axis=0)
    return out

if __name__ == "__main__":
    import jax
    _d = setup_inputs()
    print(jax.jit(kernel)(*tuple(_d.values())))

</pallas_src>

<mosaic_0001>
#map = affine_map<(d0, d1) -> (0, 0)>
module attributes {stable_mosaic.version = 14 : i64} {
  func.func @emb(%arg0: i32, %arg1: i32, %arg2: memref<2560x128xi32, #tpu.memory_space<hbm>>, %arg3: memref<1000000x64xf32, #tpu.memory_space<hbm>>, %arg4: memref<327680x64xf32, #tpu.memory_space<hbm>>, %arg5: memref<80x128xi32, #tpu.memory_space<vmem>>, %arg6: memref<128x64xf32, #tpu.memory_space<vmem>>, %arg7: memref<128x64xf32, #tpu.memory_space<vmem>>, %arg8: memref<128x64xf32, #tpu.memory_space<vmem>>, %arg9: memref<128x64xf32, #tpu.memory_space<vmem>>, %arg10: memref<128x64xf32, #tpu.memory_space<vmem>>, %arg11: memref<128x64xf32, #tpu.memory_space<vmem>>, %arg12: memref<128x64xf32, #tpu.memory_space<vmem>>, %arg13: memref<128x64xf32, #tpu.memory_space<vmem>>, %arg14: memref<!tpu.dma_semaphore, #tpu.memory_space<semaphore_mem>>, %arg15: memref<!tpu.dma_semaphore, #tpu.memory_space<semaphore_mem>>, %arg16: memref<!tpu.dma_semaphore, #tpu.memory_space<semaphore_mem>>, %arg17: memref<!tpu.dma_semaphore, #tpu.memory_space<semaphore_mem>>, %arg18: memref<!tpu.dma_semaphore, #tpu.memory_space<semaphore_mem>>, %arg19: memref<!tpu.dma_semaphore, #tpu.memory_space<semaphore_mem>>, %arg20: memref<!tpu.dma_semaphore, #tpu.memory_space<semaphore_mem>>, %arg21: memref<!tpu.dma_semaphore, #tpu.memory_space<semaphore_mem>>, %arg22: memref<!tpu.dma_semaphore, #tpu.memory_space<semaphore_mem>>, %arg23: memref<!tpu.dma_semaphore, #tpu.memory_space<semaphore_mem>>, %arg24: memref<!tpu.dma_semaphore, #tpu.memory_space<semaphore_mem>>, %arg25: memref<!tpu.dma_semaphore, #tpu.memory_space<semaphore_mem>>, %arg26: memref<!tpu.dma_semaphore, #tpu.memory_space<semaphore_mem>>, %arg27: memref<!tpu.dma_semaphore, #tpu.memory_space<semaphore_mem>>, %arg28: memref<!tpu.dma_semaphore, #tpu.memory_space<semaphore_mem>>, %arg29: memref<!tpu.dma_semaphore, #tpu.memory_space<semaphore_mem>>) attributes {dimension_semantics = [#tpu.dimension_semantics<core_parallel>, #tpu.dimension_semantics<subcore_parallel>], iteration_bounds = array<i64: 2, 16>, scalar_prefetch = 0 : i64, scratch_operands = 25 : i64, tpu.core_type = #tpu.core_type<sc_vector_subcore>, window_params = [{transform_indices = #map}, {transform_indices = #map}, {transform_indices = #map}]} {
    %mul3A = arith.constant 2 : i32
    %mul3A_0 = arith.muli %arg1, %mul3A : i32
    %add3A = arith.addi %mul3A_0, %arg0 : i32
    %mul3A_1 = arith.constant 10240 : i32
    %mul3A_2 = arith.muli %add3A, %mul3A_1 : i32
    %mul3A_3 = arith.constant 80 : i32
    %mul3A_4 = arith.muli %add3A, %mul3A_3 : i32
    "tpu.region"() ({
      %run_scoped3A = tpu.sem_alloc : memref<!tpu.dma_semaphore, #tpu.memory_space<semaphore_mem>>
      %dma_start3A_216 = arith.constant 0 : i32
      %dma_start3A_217 = tpu.memref_slice %arg2[%mul3A_4, %dma_start3A_216] : memref<2560x128xi32, #tpu.memory_space<hbm>> -> memref<80x128xi32, #tpu.memory_space<hbm>>
      %dma_start3A_218 = arith.constant 0 : i32
      %dma_start3A_219 = tpu.memref_slice %arg2[%mul3A_4, %dma_start3A_218] : memref<2560x128xi32, #tpu.memory_space<hbm>> -> memref<80x128xi32, #tpu.memory_space<hbm>>
      tpu.enqueue_dma source(%dma_start3A_219 : memref<80x128xi32, #tpu.memory_space<hbm>>) target(%arg5 : memref<80x128xi32, #tpu.memory_space<vmem>>) target_semaphore(%run_scoped3A : memref<!tpu.dma_semaphore, #tpu.memory_space<semaphore_mem>>)
      %dma_wait3A_220 = arith.constant 0 : i32
      %dma_wait3A_221 = tpu.memref_slice %arg2[%mul3A_4, %dma_wait3A_220] : memref<2560x128xi32, #tpu.memory_space<hbm>> -> memref<80x128xi32, #tpu.memory_space<hbm>>
      %dma_wait3A_222 = arith.constant 0 : i32
      %dma_wait3A_223 = tpu.memref_slice %arg2[%mul3A_4, %dma_wait3A_222] : memref<2560x128xi32, #tpu.memory_space<hbm>> -> memref<80x128xi32, #tpu.memory_space<hbm>>
      tpu.wait_dma2 semaphore(%run_scoped3A : memref<!tpu.dma_semaphore, #tpu.memory_space<semaphore_mem>>) src(%dma_wait3A_223 : memref<80x128xi32, #tpu.memory_space<hbm>>) dst(%arg5 : memref<80x128xi32, #tpu.memory_space<vmem>>)
      tpu.yield
    }) : () -> ()
    %dma_start3A = arith.constant 0 : i32
    %dma_start3A_5 = arith.constant 0 : i32
    %dma_start3A_6 = tpu.memref_slice %arg5[%dma_start3A, %dma_start3A_5] : memref<80x128xi32, #tpu.memory_space<vmem>> -> memref<1x128xi32, #tpu.memory_space<vmem>>
    %dma_start3A_7 = tpu.memref_squeeze %dma_start3A_6 : memref<1x128xi32, #tpu.memory_space<vmem>> -> memref<128xi32, #tpu.memory_space<vmem>>
    %dma_start3A_8 = arith.constant 0 : i32
    %dma_start3A_9 = arith.constant 0 : i32
    %dma_start3A_10 = tpu.memref_slice %arg3[%dma_start3A_8, %dma_start3A_9] : memref<1000000x64xf32, #tpu.memory_space<hbm>> -> memref<1000000x64xf32, #tpu.memory_space<hbm>>
    tpu.enqueue_indirect_dma source(%dma_start3A_10 : memref<1000000x64xf32, #tpu.memory_space<hbm>>) target(%arg6 : memref<128x64xf32, #tpu.memory_space<vmem>>) offsets(%dma_start3A_7 : memref<128xi32, #tpu.memory_space<vmem>>) semaphore(%arg14 : memref<!tpu.dma_semaphore, #tpu.memory_space<semaphore_mem>>)
    %dma_start3A_11 = arith.constant 1 : i32
    %dma_start3A_12 = arith.constant 0 : i32
    %dma_start3A_13 = tpu.memref_slice %arg5[%dma_start3A_11, %dma_start3A_12] : memref<80x128xi32, #tpu.memory_space<vmem>> -> memref<1x128xi32, #tpu.memory_space<vmem>>
    %dma_start3A_14 = tpu.memref_squeeze %dma_start3A_13 : memref<1x128xi32, #tpu.memory_space<vmem>> -> memref<128xi32, #tpu.memory_space<vmem>>
    %dma_start3A_15 = arith.constant 0 : i32
    %dma_start3A_16 = arith.constant 0 : i32
    %dma_start3A_17 = tpu.memref_slice %arg3[%dma_start3A_15, %dma_start3A_16] : memref<1000000x64xf32, #tpu.memory_space<hbm>> -> memref<1000000x64xf32, #tpu.memory_space<hbm>>
    tpu.enqueue_indirect_dma source(%dma_start3A_17 : memref<1000000x64xf32, #tpu.memory_space<hbm>>) target(%arg8 : memref<128x64xf32, #tpu.memory_space<vmem>>) offsets(%dma_start3A_14 : memref<128xi32, #tpu.memory_space<vmem>>) semaphore(%arg16 : memref<!tpu.dma_semaphore, #tpu.memory_space<semaphore_mem>>)
    %dma_start3A_18 = arith.constant 2 : i32
    %dma_start3A_19 = arith.constant 0 : i32
    %dma_start3A_20 = tpu.memref_slice %arg5[%dma_start3A_18, %dma_start3A_19] : memref<80x128xi32, #tpu.memory_space<vmem>> -> memref<1x128xi32, #tpu.memory_space<vmem>>
    %dma_start3A_21 = tpu.memref_squeeze %dma_start3A_20 : memref<1x128xi32, #tpu.memory_space<vmem>> -> memref<128xi32, #tpu.memory_space<vmem>>
    %dma_start3A_22 = arith.constant 0 : i32
    %dma_start3A_23 = arith.constant 0 : i32
    %dma_start3A_24 = tpu.memref_slice %arg3[%dma_start3A_22, %dma_start3A_23] : memref<1000000x64xf32, #tpu.memory_space<hbm>> -> memref<1000000x64xf32, #tpu.memory_space<hbm>>
    tpu.enqueue_indirect_dma source(%dma_start3A_24 : memref<1000000x64xf32, #tpu.memory_space<hbm>>) target(%arg10 : memref<128x64xf32, #tpu.memory_space<vmem>>) offsets(%dma_start3A_21 : memref<128xi32, #tpu.memory_space<vmem>>) semaphore(%arg18 : memref<!tpu.dma_semaphore, #tpu.memory_space<semaphore_mem>>)
    %dma_start3A_25 = arith.constant 3 : i32
    %dma_start3A_26 = arith.constant 0 : i32
    %dma_start3A_27 = tpu.memref_slice %arg5[%dma_start3A_25, %dma_start3A_26] : memref<80x128xi32, #tpu.memory_space<vmem>> -> memref<1x128xi32, #tpu.memory_space<vmem>>
    %dma_start3A_28 = tpu.memref_squeeze %dma_start3A_27 : memref<1x128xi32, #tpu.memory_space<vmem>> -> memref<128xi32, #tpu.memory_space<vmem>>
    %dma_start3A_29 = arith.constant 0 : i32
    %dma_start3A_30 = arith.constant 0 : i32
    %dma_start3A_31 = tpu.memref_slice %arg3[%dma_start3A_29, %dma_start3A_30] : memref<1000000x64xf32, #tpu.memory_space<hbm>> -> memref<1000000x64xf32, #tpu.memory_space<hbm>>
    tpu.enqueue_indirect_dma source(%dma_start3A_31 : memref<1000000x64xf32, #tpu.memory_space<hbm>>) target(%arg12 : memref<128x64xf32, #tpu.memory_space<vmem>>) offsets(%dma_start3A_28 : memref<128xi32, #tpu.memory_space<vmem>>) semaphore(%arg20 : memref<!tpu.dma_semaphore, #tpu.memory_space<semaphore_mem>>)
    %dma_wait3A = arith.constant 0 : i32
    %dma_wait3A_32 = arith.constant 0 : i32
    %dma_wait3A_33 = tpu.memref_slice %arg5[%dma_wait3A, %dma_wait3A_32] : memref<80x128xi32, #tpu.memory_space<vmem>> -> memref<1x128xi32, #tpu.memory_space<vmem>>
    %dma_wait3A_34 = tpu.memref_squeeze %dma_wait3A_33 : memref<1x128xi32, #tpu.memory_space<vmem>> -> memref<128xi32, #tpu.memory_space<vmem>>
    %dma_wait3A_35 = arith.constant 0 : i32
    %dma_wait3A_36 = arith.constant 0 : i32
    %dma_wait3A_37 = tpu.memref_slice %arg3[%dma_wait3A_35, %dma_wait3A_36] : memref<1000000x64xf32, #tpu.memory_space<hbm>> -> memref<1000000x64xf32, #tpu.memory_space<hbm>>
    tpu.wait_indirect_dma semaphore(%arg14 : memref<!tpu.dma_semaphore, #tpu.memory_space<semaphore_mem>>) src(%dma_wait3A_37 : memref<1000000x64xf32, #tpu.memory_space<hbm>>) dst(%arg6 : memref<128x64xf32, #tpu.memory_space<vmem>>)
    %add3A_38 = arith.constant 0 : i32
    %add3A_39 = arith.addi %mul3A_2, %add3A_38 : i32
    %dma_start3A_40 = arith.constant 0 : i32
    %dma_start3A_41 = tpu.memref_slice %arg4[%add3A_39, %dma_start3A_40] : memref<327680x64xf32, #tpu.memory_space<hbm>> -> memref<128x64xf32, #tpu.memory_space<hbm>>
    %dma_start3A_42 = arith.constant 0 : i32
    %dma_start3A_43 = tpu.memref_slice %arg4[%add3A_39, %dma_start3A_42] : memref<327680x64xf32, #tpu.memory_space<hbm>> -> memref<128x64xf32, #tpu.memory_space<hbm>>
    tpu.enqueue_dma source(%arg6 : memref<128x64xf32, #tpu.memory_space<vmem>>) target(%dma_start3A_43 : memref<128x64xf32, #tpu.memory_space<hbm>>) target_semaphore(%arg22 : memref<!tpu.dma_semaphore, #tpu.memory_space<semaphore_mem>>)
    %dma_start3A_44 = arith.constant 4 : i32
    %dma_start3A_45 = arith.constant 0 : i32
    %dma_start3A_46 = tpu.memref_slice %arg5[%dma_start3A_44, %dma_start3A_45] : memref<80x128xi32, #tpu.memory_space<vmem>> -> memref<1x128xi32, #tpu.memory_space<vmem>>
    %dma_start3A_47 = tpu.memref_squeeze %dma_start3A_46 : memref<1x128xi32, #tpu.memory_space<vmem>> -> memref<128xi32, #tpu.memory_space<vmem>>
    %dma_start3A_48 = arith.constant 0 : i32
    %dma_start3A_49 = arith.constant 0 : i32
    %dma_start3A_50 = tpu.memref_slice %arg3[%dma_start3A_48, %dma_start3A_49] : memref<1000000x64xf32, #tpu.memory_space<hbm>> -> memref<1000000x64xf32, #tpu.memory_space<hbm>>
    tpu.enqueue_indirect_dma source(%dma_start3A_50 : memref<1000000x64xf32, #tpu.memory_space<hbm>>) target(%arg7 : memref<128x64xf32, #tpu.memory_space<vmem>>) offsets(%dma_start3A_47 : memref<128xi32, #tpu.memory_space<vmem>>) semaphore(%arg15 : memref<!tpu.dma_semaphore, #tpu.memory_space<semaphore_mem>>)
    %dma_wait3A_51 = arith.constant 1 : i32
    %dma_wait3A_52 = arith.constant 0 : i32
    %dma_wait3A_53 = tpu.memref_slice %arg5[%dma_wait3A_51, %dma_wait3A_52] : memref<80x128xi32, #tpu.memory_space<vmem>> -> memref<1x128xi32, #tpu.memory_space<vmem>>
    %dma_wait3A_54 = tpu.memref_squeeze %dma_wait3A_53 : memref<1x128xi32, #tpu.memory_space<vmem>> -> memref<128xi32, #tpu.memory_space<vmem>>
    %dma_wait3A_55 = arith.constant 0 : i32
    %dma_wait3A_56 = arith.constant 0 : i32
    %dma_wait3A_57 = tpu.memref_slice %arg3[%dma_wait3A_55, %dma_wait3A_56] : memref<1000000x64xf32, #tpu.memory_space<hbm>> -> memref<1000000x64xf32, #tpu.memory_space<hbm>>
    tpu.wait_indirect_dma semaphore(%arg16 : memref<!tpu.dma_semaphore, #tpu.memory_space<semaphore_mem>>) src(%dma_wait3A_57 : memref<1000000x64xf32, #tpu.memory_space<hbm>>) dst(%arg8 : memref<128x64xf32, #tpu.memory_space<vmem>>)
    %add3A_58 = arith.constant 128 : i32
    %add3A_59 = arith.addi %mul3A_2, %add3A_58 : i32
    %dma_start3A_60 = arith.constant 0 : i32
    %dma_start3A_61 = tpu.memref_slice %arg4[%add3A_59, %dma_start3A_60] : memref<327680x64xf32, #tpu.memory_space<hbm>> -> memref<128x64xf32, #tpu.memory_space<hbm>>
    %dma_start3A_62 = arith.constant 0 : i32
    %dma_start3A_63 = tpu.memref_slice %arg4[%add3A_59, %dma_start3A_62] : memref<327680x64xf32, #tpu.memory_space<hbm>> -> memref<128x64xf32, #tpu.memory_space<hbm>>
    tpu.enqueue_dma source(%arg8 : memref<128x64xf32, #tpu.memory_space<vmem>>) target(%dma_start3A_63 : memref<128x64xf32, #tpu.memory_space<hbm>>) target_semaphore(%arg24 : memref<!tpu.dma_semaphore, #tpu.memory_space<semaphore_mem>>)
    %dma_start3A_64 = arith.constant 5 : i32
    %dma_start3A_65 = arith.constant 0 : i32
    %dma_start3A_66 = tpu.memref_slice %arg5[%dma_start3A_64, %dma_start3A_65] : memref<80x128xi32, #tpu.memory_space<vmem>> -> memref<1x128xi32, #tpu.memory_space<vmem>>
    %dma_start3A_67 = tpu.memref_squeeze %dma_start3A_66 : memref<1x128xi32, #tpu.memory_space<vmem>> -> memref<128xi32, #tpu.memory_space<vmem>>
    %dma_start3A_68 = arith.constant 0 : i32
    %dma_start3A_69 = arith.constant 0 : i32
    %dma_start3A_70 = tpu.memref_slice %arg3[%dma_start3A_68, %dma_start3A_69] : memref<1000000x64xf32, #tpu.memory_space<hbm>> -> memref<1000000x64xf32, #tpu.memory_space<hbm>>
    tpu.enqueue_indirect_dma source(%dma_start3A_70 : memref<1000000x64xf32, #tpu.memory_space<hbm>>) target(%arg9 : memref<128x64xf32, #tpu.memory_space<vmem>>) offsets(%dma_start3A_67 : memref<128xi32, #tpu.memory_space<vmem>>) semaphore(%arg17 : memref<!tpu.dma_semaphore, #tpu.memory_space<semaphore_mem>>)
    %dma_wait3A_71 = arith.constant 2 : i32
    %dma_wait3A_72 = arith.constant 0 : i32
    %dma_wait3A_73 = tpu.memref_slice %arg5[%dma_wait3A_71, %dma_wait3A_72] : memref<80x128xi32, #tpu.memory_space<vmem>> -> memref<1x128xi32, #tpu.memory_space<vmem>>
    %dma_wait3A_74 = tpu.memref_squeeze %dma_wait3A_73 : memref<1x128xi32, #tpu.memory_space<vmem>> -> memref<128xi32, #tpu.memory_space<vmem>>
    %dma_wait3A_75 = arith.constant 0 : i32
    %dma_wait3A_76 = arith.constant 0 : i32
    %dma_wait3A_77 = tpu.memref_slice %arg3[%dma_wait3A_75, %dma_wait3A_76] : memref<1000000x64xf32, #tpu.memory_space<hbm>> -> memref<1000000x64xf32, #tpu.memory_space<hbm>>
    tpu.wait_indirect_dma semaphore(%arg18 : memref<!tpu.dma_semaphore, #tpu.memory_space<semaphore_mem>>) src(%dma_wait3A_77 : memref<1000000x64xf32, #tpu.memory_space<hbm>>) dst(%arg10 : memref<128x64xf32, #tpu.memory_space<vmem>>)
    %add3A_78 = arith.constant 256 : i32
    %add3A_79 = arith.addi %mul3A_2, %add3A_78 : i32
    %dma_start3A_80 = arith.constant 0 : i32
    %dma_start3A_81 = tpu.memref_slice %arg4[%add3A_79, %dma_start3A_80] : memref<327680x64xf32, #tpu.memory_space<hbm>> -> memref<128x64xf32, #tpu.memory_space<hbm>>
    %dma_start3A_82 = arith.constant 0 : i32
    %dma_start3A_83 = tpu.memref_slice %arg4[%add3A_79, %dma_start3A_82] : memref<327680x64xf32, #tpu.memory_space<hbm>> -> memref<128x64xf32, #tpu.memory_space<hbm>>
    tpu.enqueue_dma source(%arg10 : memref<128x64xf32, #tpu.memory_space<vmem>>) target(%dma_start3A_83 : memref<128x64xf32, #tpu.memory_space<hbm>>) target_semaphore(%arg26 : memref<!tpu.dma_semaphore, #tpu.memory_space<semaphore_mem>>)
    %dma_start3A_84 = arith.constant 6 : i32
    %dma_start3A_85 = arith.constant 0 : i32
    %dma_start3A_86 = tpu.memref_slice %arg5[%dma_start3A_84, %dma_start3A_85] : memref<80x128xi32, #tpu.memory_space<vmem>> -> memref<1x128xi32, #tpu.memory_space<vmem>>
    %dma_start3A_87 = tpu.memref_squeeze %dma_start3A_86 : memref<1x128xi32, #tpu.memory_space<vmem>> -> memref<128xi32, #tpu.memory_space<vmem>>
    %dma_start3A_88 = arith.constant 0 : i32
    %dma_start3A_89 = arith.constant 0 : i32
    %dma_start3A_90 = tpu.memref_slice %arg3[%dma_start3A_88, %dma_start3A_89] : memref<1000000x64xf32, #tpu.memory_space<hbm>> -> memref<1000000x64xf32, #tpu.memory_space<hbm>>
    tpu.enqueue_indirect_dma source(%dma_start3A_90 : memref<1000000x64xf32, #tpu.memory_space<hbm>>) target(%arg11 : memref<128x64xf32, #tpu.memory_space<vmem>>) offsets(%dma_start3A_87 : memref<128xi32, #tpu.memory_space<vmem>>) semaphore(%arg19 : memref<!tpu.dma_semaphore, #tpu.memory_space<semaphore_mem>>)
    %dma_wait3A_91 = arith.constant 3 : i32
    %dma_wait3A_92 = arith.constant 0 : i32
    %dma_wait3A_93 = tpu.memref_slice %arg5[%dma_wait3A_91, %dma_wait3A_92] : memref<80x128xi32, #tpu.memory_space<vmem>> -> memref<1x128xi32, #tpu.memory_space<vmem>>
    %dma_wait3A_94 = tpu.memref_squeeze %dma_wait3A_93 : memref<1x128xi32, #tpu.memory_space<vmem>> -> memref<128xi32, #tpu.memory_space<vmem>>
    %dma_wait3A_95 = arith.constant 0 : i32
    %dma_wait3A_96 = arith.constant 0 : i32
    %dma_wait3A_97 = tpu.memref_slice %arg3[%dma_wait3A_95, %dma_wait3A_96] : memref<1000000x64xf32, #tpu.memory_space<hbm>> -> memref<1000000x64xf32, #tpu.memory_space<hbm>>
    tpu.wait_indirect_dma semaphore(%arg20 : memref<!tpu.dma_semaphore, #tpu.memory_space<semaphore_mem>>) src(%dma_wait3A_97 : memref<1000000x64xf32, #tpu.memory_space<hbm>>) dst(%arg12 : memref<128x64xf32, #tpu.memory_space<vmem>>)
    %add3A_98 = arith.constant 384 : i32
    %add3A_99 = arith.addi %mul3A_2, %add3A_98 : i32
    %dma_start3A_100 = arith.constant 0 : i32
    %dma_start3A_101 = tpu.memref_slice %arg4[%add3A_99, %dma_start3A_100] : memref<327680x64xf32, #tpu.memory_space<hbm>> -> memref<128x64xf32, #tpu.memory_space<hbm>>
    %dma_start3A_102 = arith.constant 0 : i32
    %dma_start3A_103 = tpu.memref_slice %arg4[%add3A_99, %dma_start3A_102] : memref<327680x64xf32, #tpu.memory_space<hbm>> -> memref<128x64xf32, #tpu.memory_space<hbm>>
    tpu.enqueue_dma source(%arg12 : memref<128x64xf32, #tpu.memory_space<vmem>>) target(%dma_start3A_103 : memref<128x64xf32, #tpu.memory_space<hbm>>) target_semaphore(%arg28 : memref<!tpu.dma_semaphore, #tpu.memory_space<semaphore_mem>>)
    %dma_start3A_104 = arith.constant 7 : i32
    %dma_start3A_105 = arith.constant 0 : i32
    %dma_start3A_106 = tpu.memref_slice %arg5[%dma_start3A_104, %dma_start3A_105] : memref<80x128xi32, #tpu.memory_space<vmem>> -> memref<1x128xi32, #tpu.memory_space<vmem>>
    %dma_start3A_107 = tpu.memref_squeeze %dma_start3A_106 : memref<1x128xi32, #tpu.memory_space<vmem>> -> memref<128xi32, #tpu.memory_space<vmem>>
    %dma_start3A_108 = arith.constant 0 : i32
    %dma_start3A_109 = arith.constant 0 : i32
    %dma_start3A_110 = tpu.memref_slice %arg3[%dma_start3A_108, %dma_start3A_109] : memref<1000000x64xf32, #tpu.memory_space<hbm>> -> memref<1000000x64xf32, #tpu.memory_space<hbm>>
    tpu.enqueue_indirect_dma source(%dma_start3A_110 : memref<1000000x64xf32, #tpu.memory_space<hbm>>) target(%arg13 : memref<128x64xf32, #tpu.memory_space<vmem>>) offsets(%dma_start3A_107 : memref<128xi32, #tpu.memory_space<vmem>>) semaphore(%arg21 : memref<!tpu.dma_semaphore, #tpu.memory_space<semaphore_mem>>)
    %scan3A = arith.constant 0 : i32
    %scan3A_111 = arith.constant 0 : i32
    %scan3A_112 = arith.constant 9 : i32
    %scan3A_113 = arith.addi %scan3A_111, %scan3A_112 : i32
    %scan3A_114 = arith.constant 1 : i32
    scf.for %scan3A_216 = %scan3A_111 to %scan3A_113 step %scan3A_114  : i32 {
      %mul3A_217 = arith.constant 2 : i32
      %mul3A_218 = arith.muli %mul3A_217, %scan3A_216 : i32
      %add3A_219 = arith.constant 1 : i32
      %add3A_220 = arith.addi %mul3A_218, %add3A_219 : i32
      %mul3A_221 = arith.constant 4 : i32
      %mul3A_222 = arith.muli %add3A_220, %mul3A_221 : i32
      %add3A_223 = arith.constant 0 : i32
      %add3A_224 = arith.addi %mul3A_222, %add3A_223 : i32
      %dma_wait3A_225 = arith.constant 0 : i32
      %dma_wait3A_226 = tpu.memref_slice %arg5[%add3A_224, %dma_wait3A_225] : memref<80x128xi32, #tpu.memory_space<vmem>> -> memref<1x128xi32, #tpu.memory_space<vmem>>
      %dma_wait3A_227 = tpu.memref_squeeze %dma_wait3A_226 : memref<1x128xi32, #tpu.memory_space<vmem>> -> memref<128xi32, #tpu.memory_space<vmem>>
      %dma_wait3A_228 = arith.constant 0 : i32
      %dma_wait3A_229 = arith.constant 0 : i32
      %dma_wait3A_230 = tpu.memref_slice %arg3[%dma_wait3A_228, %dma_wait3A_229] : memref<1000000x64xf32, #tpu.memory_space<hbm>> -> memref<1000000x64xf32, #tpu.memory_space<hbm>>
      tpu.wait_indirect_dma semaphore(%arg15 : memref<!tpu.dma_semaphore, #tpu.memory_space<semaphore_mem>>) src(%dma_wait3A_230 : memref<1000000x64xf32, #tpu.memory_space<hbm>>) dst(%arg7 : memref<128x64xf32, #tpu.memory_space<vmem>>)
      %mul3A_231 = arith.constant 128 : i32
      %mul3A_232 = arith.muli %add3A_224, %mul3A_231 : i32
      %add3A_233 = arith.addi %mul3A_2, %mul3A_232 : i32
      %dma_start3A_234 = arith.constant 0 : i32
      %dma_start3A_235 = tpu.memref_slice %arg4[%add3A_233, %dma_start3A_234] : memref<327680x64xf32, #tpu.memory_space<hbm>> -> memref<128x64xf32, #tpu.memory_space<hbm>>
      %dma_start3A_236 = arith.constant 0 : i32
      %dma_start3A_237 = tpu.memref_slice %arg4[%add3A_233, %dma_start3A_236] : memref<327680x64xf32, #tpu.memory_space<hbm>> -> memref<128x64xf32, #tpu.memory_space<hbm>>
      tpu.enqueue_dma source(%arg7 : memref<128x64xf32, #tpu.memory_space<vmem>>) target(%dma_start3A_237 : memref<128x64xf32, #tpu.memory_space<hbm>>) target_semaphore(%arg23 : memref<!tpu.dma_semaphore, #tpu.memory_space<semaphore_mem>>)
      %sub3A = arith.constant 4 : i32
      %sub3A_238 = arith.subi %add3A_224, %sub3A : i32
      %mul3A_239 = arith.constant 128 : i32
      %mul3A_240 = arith.muli %sub3A_238, %mul3A_239 : i32
      %add3A_241 = arith.addi %mul3A_2, %mul3A_240 : i32
      %dma_wait3A_242 = arith.constant 0 : i32
      %dma_wait3A_243 = tpu.memref_slice %arg4[%add3A_241, %dma_wait3A_242] : memref<327680x64xf32, #tpu.memory_space<hbm>> -> memref<128x64xf32, #tpu.memory_space<hbm>>
      %dma_wait3A_244 = arith.constant 0 : i32
      %dma_wait3A_245 = tpu.memref_slice %arg4[%add3A_241, %dma_wait3A_244] : memref<327680x64xf32, #tpu.memory_space<hbm>> -> memref<128x64xf32, #tpu.memory_space<hbm>>
      tpu.wait_dma2 semaphore(%arg22 : memref<!tpu.dma_semaphore, #tpu.memory_space<semaphore_mem>>) src(%arg6 : memref<128x64xf32, #tpu.memory_space<vmem>>) dst(%dma_wait3A_245 : memref<128x64xf32, #tpu.memory_space<hbm>>)
      %add3A_246 = arith.constant 4 : i32
      %add3A_247 = arith.addi %add3A_224, %add3A_246 : i32
      %dma_start3A_248 = arith.constant 0 : i32
      %dma_start3A_249 = tpu.memref_slice %arg5[%add3A_247, %dma_start3A_248] : memref<80x128xi32, #tpu.memory_space<vmem>> -> memref<1x128xi32, #tpu.memory_space<vmem>>
      %dma_start3A_250 = tpu.memref_squeeze %dma_start3A_249 : memref<1x128xi32, #tpu.memory_space<vmem>> -> memref<128xi32, #tpu.memory_space<vmem>>
      %dma_start3A_251 = arith.constant 0 : i32
      %dma_start3A_252 = arith.constant 0 : i32
      %dma_start3A_253 = tpu.memref_slice %arg3[%dma_start3A_251, %dma_start3A_252] : memref<1000000x64xf32, #tpu.memory_space<hbm>> -> memref<1000000x64xf32, #tpu.memory_space<hbm>>
      tpu.enqueue_indirect_dma source(%dma_start3A_253 : memref<1000000x64xf32, #tpu.memory_space<hbm>>) target(%arg6 : memref<128x64xf32, #tpu.memory_space<vmem>>) offsets(%dma_start3A_250 : memref<128xi32, #tpu.memory_space<vmem>>) semaphore(%arg14 : memref<!tpu.dma_semaphore, #tpu.memory_space<semaphore_mem>>)
      %mul3A_254 = arith.constant 4 : i32
      %mul3A_255 = arith.muli %add3A_220, %mul3A_254 : i32
      %add3A_256 = arith.constant 1 : i32
      %add3A_257 = arith.addi %mul3A_255, %add3A_256 : i32
      %dma_wait3A_258 = arith.constant 0 : i32
      %dma_wait3A_259 = tpu.memref_slice %arg5[%add3A_257, %dma_wait3A_258] : memref<80x128xi32, #tpu.memory_space<vmem>> -> memref<1x128xi32, #tpu.memory_space<vmem>>
      %dma_wait3A_260 = tpu.memref_squeeze %dma_wait3A_259 : memref<1x128xi32, #tpu.memory_space<vmem>> -> memref<128xi32, #tpu.memory_space<vmem>>
      %dma_wait3A_261 = arith.constant 0 : i32
      %dma_wait3A_262 = arith.constant 0 : i32
      %dma_wait3A_263 = tpu.memref_slice %arg3[%dma_wait3A_261, %dma_wait3A_262] : memref<1000000x64xf32, #tpu.memory_space<hbm>> -> memref<1000000x64xf32, #tpu.memory_space<hbm>>
      tpu.wait_indirect_dma semaphore(%arg17 : memref<!tpu.dma_semaphore, #tpu.memory_space<semaphore_mem>>) src(%dma_wait3A_263 : memref<1000000x64xf32, #tpu.memory_space<hbm>>) dst(%arg9 : memref<128x64xf32, #tpu.memory_space<vmem>>)
      %mul3A_264 = arith.constant 128 : i32
      %mul3A_265 = arith.muli %add3A_257, %mul3A_264 : i32
      %add3A_266 = arith.addi %mul3A_2, %mul3A_265 : i32
      %dma_start3A_267 = arith.constant 0 : i32
      %dma_start3A_268 = tpu.memref_slice %arg4[%add3A_266, %dma_start3A_267] : memref<327680x64xf32, #tpu.memory_space<hbm>> -> memref<128x64xf32, #tpu.memory_space<hbm>>
      %dma_start3A_269 = arith.constant 0 : i32
      %dma_start3A_270 = tpu.memref_slice %arg4[%add3A_266, %dma_start3A_269] : memref<327680x64xf32, #tpu.memory_space<hbm>> -> memref<128x64xf32, #tpu.memory_space<hbm>>
      tpu.enqueue_dma source(%arg9 : memref<128x64xf32, #tpu.memory_space<vmem>>) target(%dma_start3A_270 : memref<128x64xf32, #tpu.memory_space<hbm>>) target_semaphore(%arg25 : memref<!tpu.dma_semaphore, #tpu.memory_space<semaphore_mem>>)
      %sub3A_271 = arith.constant 4 : i32
      %sub3A_272 = arith.subi %add3A_257, %sub3A_271 : i32
      %mul3A_273 = arith.constant 128 : i32
      %mul3A_274 = arith.muli %sub3A_272, %mul3A_273 : i32
      %add3A_275 = arith.addi %mul3A_2, %mul3A_274 : i32
      %dma_wait3A_276 = arith.constant 0 : i32
      %dma_wait3A_277 = tpu.memref_slice %arg4[%add3A_275, %dma_wait3A_276] : memref<327680x64xf32, #tpu.memory_space<hbm>> -> memref<128x64xf32, #tpu.memory_space<hbm>>
      %dma_wait3A_278 = arith.constant 0 : i32
      %dma_wait3A_279 = tpu.memref_slice %arg4[%add3A_275, %dma_wait3A_278] : memref<327680x64xf32, #tpu.memory_space<hbm>> -> memref<128x64xf32, #tpu.memory_space<hbm>>
      tpu.wait_dma2 semaphore(%arg24 : memref<!tpu.dma_semaphore, #tpu.memory_space<semaphore_mem>>) src(%arg8 : memref<128x64xf32, #tpu.memory_space<vmem>>) dst(%dma_wait3A_279 : memref<128x64xf32, #tpu.memory_space<hbm>>)
      %add3A_280 = arith.constant 4 : i32
      %add3A_281 = arith.addi %add3A_257, %add3A_280 : i32
      %dma_start3A_282 = arith.constant 0 : i32
      %dma_start3A_283 = tpu.memref_slice %arg5[%add3A_281, %dma_start3A_282] : memref<80x128xi32, #tpu.memory_space<vmem>> -> memref<1x128xi32, #tpu.memory_space<vmem>>
      %dma_start3A_284 = tpu.memref_squeeze %dma_start3A_283 : memref<1x128xi32, #tpu.memory_space<vmem>> -> memref<128xi32, #tpu.memory_space<vmem>>
      %dma_start3A_285 = arith.constant 0 : i32
      %dma_start3A_286 = arith.constant 0 : i32
      %dma_start3A_287 = tpu.memref_slice %arg3[%dma_start3A_285, %dma_start3A_286] : memref<1000000x64xf32, #tpu.memory_space<hbm>> -> memref<1000000x64xf32, #tpu.memory_space<hbm>>
      tpu.enqueue_indirect_dma source(%dma_start3A_287 : memref<1000000x64xf32, #tpu.memory_space<hbm>>) target(%arg8 : memref<128x64xf32, #tpu.memory_space<vmem>>) offsets(%dma_start3A_284 : memref<128xi32, #tpu.memory_space<vmem>>) semaphore(%arg16 : memref<!tpu.dma_semaphore, #tpu.memory_space<semaphore_mem>>)
      %mul3A_288 = arith.constant 4 : i32
      %mul3A_289 = arith.muli %add3A_220, %mul3A_288 : i32
      %add3A_290 = arith.constant 2 : i32
      %add3A_291 = arith.addi %mul3A_289, %add3A_290 : i32
      %dma_wait3A_292 = arith.constant 0 : i32
      %dma_wait3A_293 = tpu.memref_slice %arg5[%add3A_291, %dma_wait3A_292] : memref<80x128xi32, #tpu.memory_space<vmem>> -> memref<1x128xi32, #tpu.memory_space<vmem>>
      %dma_wait3A_294 = tpu.memref_squeeze %dma_wait3A_293 : memref<1x128xi32, #tpu.memory_space<vmem>> -> memref<128xi32, #tpu.memory_space<vmem>>
      %dma_wait3A_295 = arith.constant 0 : i32
      %dma_wait3A_296 = arith.constant 0 : i32
      %dma_wait3A_297 = tpu.memref_slice %arg3[%dma_wait3A_295, %dma_wait3A_296] : memref<1000000x64xf32, #tpu.memory_space<hbm>> -> memref<1000000x64xf32, #tpu.memory_space<hbm>>
      tpu.wait_indirect_dma semaphore(%arg19 : memref<!tpu.dma_semaphore, #tpu.memory_space<semaphore_mem>>) src(%dma_wait3A_297 : memref<1000000x64xf32, #tpu.memory_space<hbm>>) dst(%arg11 : memref<128x64xf32, #tpu.memory_space<vmem>>)
      %mul3A_298 = arith.constant 128 : i32
      %mul3A_299 = arith.muli %add3A_291, %mul3A_298 : i32
      %add3A_300 = arith.addi %mul3A_2, %mul3A_299 : i32
      %dma_start3A_301 = arith.constant 0 : i32
      %dma_start3A_302 = tpu.memref_slice %arg4[%add3A_300, %dma_start3A_301] : memref<327680x64xf32, #tpu.memory_space<hbm>> -> memref<128x64xf32, #tpu.memory_space<hbm>>
      %dma_start3A_303 = arith.constant 0 : i32
      %dma_start3A_304 = tpu.memref_slice %arg4[%add3A_300, %dma_start3A_303] : memref<327680x64xf32, #tpu.memory_space<hbm>> -> memref<128x64xf32, #tpu.memory_space<hbm>>
      tpu.enqueue_dma source(%arg11 : memref<128x64xf32, #tpu.memory_space<vmem>>) target(%dma_start3A_304 : memref<128x64xf32, #tpu.memory_space<hbm>>) target_semaphore(%arg27 : memref<!tpu.dma_semaphore, #tpu.memory_space<semaphore_mem>>)
      %sub3A_305 = arith.constant 4 : i32
      %sub3A_306 = arith.subi %add3A_291, %sub3A_305 : i32
      %mul3A_307 = arith.constant 128 : i32
      %mul3A_308 = arith.muli %sub3A_306, %mul3A_307 : i32
      %add3A_309 = arith.addi %mul3A_2, %mul3A_308 : i32
      %dma_wait3A_310 = arith.constant 0 : i32
      %dma_wait3A_311 = tpu.memref_slice %arg4[%add3A_309, %dma_wait3A_310] : memref<327680x64xf32, #tpu.memory_space<hbm>> -> memref<128x64xf32, #tpu.memory_space<hbm>>
      %dma_wait3A_312 = arith.constant 0 : i32
      %dma_wait3A_313 = tpu.memref_slice %arg4[%add3A_309, %dma_wait3A_312] : memref<327680x64xf32, #tpu.memory_space<hbm>> -> memref<128x64xf32, #tpu.memory_space<hbm>>
      tpu.wait_dma2 semaphore(%arg26 : memref<!tpu.dma_semaphore, #tpu.memory_space<semaphore_mem>>) src(%arg10 : memref<128x64xf32, #tpu.memory_space<vmem>>) dst(%dma_wait3A_313 : memref<128x64xf32, #tpu.memory_space<hbm>>)
      %add3A_314 = arith.constant 4 : i32
      %add3A_315 = arith.addi %add3A_291, %add3A_314 : i32
      %dma_start3A_316 = arith.constant 0 : i32
      %dma_start3A_317 = tpu.memref_slice %arg5[%add3A_315, %dma_start3A_316] : memref<80x128xi32, #tpu.memory_space<vmem>> -> memref<1x128xi32, #tpu.memory_space<vmem>>
      %dma_start3A_318 = tpu.memref_squeeze %dma_start3A_317 : memref<1x128xi32, #tpu.memory_space<vmem>> -> memref<128xi32, #tpu.memory_space<vmem>>
      %dma_start3A_319 = arith.constant 0 : i32
      %dma_start3A_320 = arith.constant 0 : i32
      %dma_start3A_321 = tpu.memref_slice %arg3[%dma_start3A_319, %dma_start3A_320] : memref<1000000x64xf32, #tpu.memory_space<hbm>> -> memref<1000000x64xf32, #tpu.memory_space<hbm>>
      tpu.enqueue_indirect_dma source(%dma_start3A_321 : memref<1000000x64xf32, #tpu.memory_space<hbm>>) target(%arg10 : memref<128x64xf32, #tpu.memory_space<vmem>>) offsets(%dma_start3A_318 : memref<128xi32, #tpu.memory_space<vmem>>) semaphore(%arg18 : memref<!tpu.dma_semaphore, #tpu.memory_space<semaphore_mem>>)
      %mul3A_322 = arith.constant 4 : i32
      %mul3A_323 = arith.muli %add3A_220, %mul3A_322 : i32
      %add3A_324 = arith.constant 3 : i32
      %add3A_325 = arith.addi %mul3A_323, %add3A_324 : i32
      %dma_wait3A_326 = arith.constant 0 : i32
      %dma_wait3A_327 = tpu.memref_slice %arg5[%add3A_325, %dma_wait3A_326] : memref<80x128xi32, #tpu.memory_space<vmem>> -> memref<1x128xi32, #tpu.memory_space<vmem>>
      %dma_wait3A_328 = tpu.memref_squeeze %dma_wait3A_327 : memref<1x128xi32, #tpu.memory_space<vmem>> -> memref<128xi32, #tpu.memory_space<vmem>>
      %dma_wait3A_329 = arith.constant 0 : i32
      %dma_wait3A_330 = arith.constant 0 : i32
      %dma_wait3A_331 = tpu.memref_slice %arg3[%dma_wait3A_329, %dma_wait3A_330] : memref<1000000x64xf32, #tpu.memory_space<hbm>> -> memref<1000000x64xf32, #tpu.memory_space<hbm>>
      tpu.wait_indirect_dma semaphore(%arg21 : memref<!tpu.dma_semaphore, #tpu.memory_space<semaphore_mem>>) src(%dma_wait3A_331 : memref<1000000x64xf32, #tpu.memory_space<hbm>>) dst(%arg13 : memref<128x64xf32, #tpu.memory_space<vmem>>)
      %mul3A_332 = arith.constant 128 : i32
      %mul3A_333 = arith.muli %add3A_325, %mul3A_332 : i32
      %add3A_334 = arith.addi %mul3A_2, %mul3A_333 : i32
      %dma_start3A_335 = arith.constant 0 : i32
      %dma_start3A_336 = tpu.memref_slice %arg4[%add3A_334, %dma_start3A_335] : memref<327680x64xf32, #tpu.memory_space<hbm>> -> memref<128x64xf32, #tpu.memory_space<hbm>>
      %dma_start3A_337 = arith.constant 0 : i32
      %dma_start3A_338 = tpu.memref_slice %arg4[%add3A_334, %dma_start3A_337] : memref<327680x64xf32, #tpu.memory_space<hbm>> -> memref<128x64xf32, #tpu.memory_space<hbm>>
      tpu.enqueue_dma source(%arg13 : memref<128x64xf32, #tpu.memory_space<vmem>>) target(%dma_start3A_338 : memref<128x64xf32, #tpu.memory_space<hbm>>) target_semaphore(%arg29 : memref<!tpu.dma_semaphore, #tpu.memory_space<semaphore_mem>>)
      %sub3A_339 = arith.constant 4 : i32
      %sub3A_340 = arith.subi %add3A_325, %sub3A_339 : i32
      %mul3A_341 = arith.constant 128 : i32
      %mul3A_342 = arith.muli %sub3A_340, %mul3A_341 : i32
      %add3A_343 = arith.addi %mul3A_2, %mul3A_342 : i32
      %dma_wait3A_344 = arith.constant 0 : i32
      %dma_wait3A_345 = tpu.memref_slice %arg4[%add3A_343, %dma_wait3A_344] : memref<327680x64xf32, #tpu.memory_space<hbm>> -> memref<128x64xf32, #tpu.memory_space<hbm>>
      %dma_wait3A_346 = arith.constant 0 : i32
      %dma_wait3A_347 = tpu.memref_slice %arg4[%add3A_343, %dma_wait3A_346] : memref<327680x64xf32, #tpu.memory_space<hbm>> -> memref<128x64xf32, #tpu.memory_space<hbm>>
      tpu.wait_dma2 semaphore(%arg28 : memref<!tpu.dma_semaphore, #tpu.memory_space<semaphore_mem>>) src(%arg12 : memref<128x64xf32, #tpu.memory_space<vmem>>) dst(%dma_wait3A_347 : memref<128x64xf32, #tpu.memory_space<hbm>>)
      %add3A_348 = arith.constant 4 : i32
      %add3A_349 = arith.addi %add3A_325, %add3A_348 : i32
      %dma_start3A_350 = arith.constant 0 : i32
      %dma_start3A_351 = tpu.memref_slice %arg5[%add3A_349, %dma_start3A_350] : memref<80x128xi32, #tpu.memory_space<vmem>> -> memref<1x128xi32, #tpu.memory_space<vmem>>
      %dma_start3A_352 = tpu.memref_squeeze %dma_start3A_351 : memref<1x128xi32, #tpu.memory_space<vmem>> -> memref<128xi32, #tpu.memory_space<vmem>>
      %dma_start3A_353 = arith.constant 0 : i32
      %dma_start3A_354 = arith.constant 0 : i32
      %dma_start3A_355 = tpu.memref_slice %arg3[%dma_start3A_353, %dma_start3A_354] : memref<1000000x64xf32, #tpu.memory_space<hbm>> -> memref<1000000x64xf32, #tpu.memory_space<hbm>>
      tpu.enqueue_indirect_dma source(%dma_start3A_355 : memref<1000000x64xf32, #tpu.memory_space<hbm>>) target(%arg12 : memref<128x64xf32, #tpu.memory_space<vmem>>) offsets(%dma_start3A_352 : memref<128xi32, #tpu.memory_space<vmem>>) semaphore(%arg20 : memref<!tpu.dma_semaphore, #tpu.memory_space<semaphore_mem>>)
      %mul3A_356 = arith.constant 2 : i32
      %mul3A_357 = arith.muli %mul3A_356, %scan3A_216 : i32
      %add3A_358 = arith.constant 2 : i32
      %add3A_359 = arith.addi %mul3A_357, %add3A_358 : i32
      %mul3A_360 = arith.constant 4 : i32
      %mul3A_361 = arith.muli %add3A_359, %mul3A_360 : i32
      %add3A_362 = arith.constant 0 : i32
      %add3A_363 = arith.addi %mul3A_361, %add3A_362 : i32
      %dma_wait3A_364 = arith.constant 0 : i32
      %dma_wait3A_365 = tpu.memref_slice %arg5[%add3A_363, %dma_wait3A_364] : memref<80x128xi32, #tpu.memory_space<vmem>> -> memref<1x128xi32, #tpu.memory_space<vmem>>
      %dma_wait3A_366 = tpu.memref_squeeze %dma_wait3A_365 : memref<1x128xi32, #tpu.memory_space<vmem>> -> memref<128xi32, #tpu.memory_space<vmem>>
      %dma_wait3A_367 = arith.constant 0 : i32
      %dma_wait3A_368 = arith.constant 0 : i32
      %dma_wait3A_369 = tpu.memref_slice %arg3[%dma_wait3A_367, %dma_wait3A_368] : memref<1000000x64xf32, #tpu.memory_space<hbm>> -> memref<1000000x64xf32, #tpu.memory_space<hbm>>
      tpu.wait_indirect_dma semaphore(%arg14 : memref<!tpu.dma_semaphore, #tpu.memory_space<semaphore_mem>>) src(%dma_wait3A_369 : memref<1000000x64xf32, #tpu.memory_space<hbm>>) dst(%arg6 : memref<128x64xf32, #tpu.memory_space<vmem>>)
      %mul3A_370 = arith.constant 128 : i32
      %mul3A_371 = arith.muli %add3A_363, %mul3A_370 : i32
      %add3A_372 = arith.addi %mul3A_2, %mul3A_371 : i32
      %dma_start3A_373 = arith.constant 0 : i32
      %dma_start3A_374 = tpu.memref_slice %arg4[%add3A_372, %dma_start3A_373] : memref<327680x64xf32, #tpu.memory_space<hbm>> -> memref<128x64xf32, #tpu.memory_space<hbm>>
      %dma_start3A_375 = arith.constant 0 : i32
      %dma_start3A_376 = tpu.memref_slice %arg4[%add3A_372, %dma_start3A_375] : memref<327680x64xf32, #tpu.memory_space<hbm>> -> memref<128x64xf32, #tpu.memory_space<hbm>>
      tpu.enqueue_dma source(%arg6 : memref<128x64xf32, #tpu.memory_space<vmem>>) target(%dma_start3A_376 : memref<128x64xf32, #tpu.memory_space<hbm>>) target_semaphore(%arg22 : memref<!tpu.dma_semaphore, #tpu.memory_space<semaphore_mem>>)
      %sub3A_377 = arith.constant 4 : i32
      %sub3A_378 = arith.subi %add3A_363, %sub3A_377 : i32
      %mul3A_379 = arith.constant 128 : i32
      %mul3A_380 = arith.muli %sub3A_378, %mul3A_379 : i32
      %add3A_381 = arith.addi %mul3A_2, %mul3A_380 : i32
      %dma_wait3A_382 = arith.constant 0 : i32
      %dma_wait3A_383 = tpu.memref_slice %arg4[%add3A_381, %dma_wait3A_382] : memref<327680x64xf32, #tpu.memory_space<hbm>> -> memref<128x64xf32, #tpu.memory_space<hbm>>
      %dma_wait3A_384 = arith.constant 0 : i32
      %dma_wait3A_385 = tpu.memref_slice %arg4[%add3A_381, %dma_wait3A_384] : memref<327680x64xf32, #tpu.memory_space<hbm>> -> memref<128x64xf32, #tpu.memory_space<hbm>>
      tpu.wait_dma2 semaphore(%arg23 : memref<!tpu.dma_semaphore, #tpu.memory_space<semaphore_mem>>) src(%arg7 : memref<128x64xf32, #tpu.memory_space<vmem>>) dst(%dma_wait3A_385 : memref<128x64xf32, #tpu.memory_space<hbm>>)
      %add3A_386 = arith.constant 4 : i32
      %add3A_387 = arith.addi %add3A_363, %add3A_386 : i32
      %dma_start3A_388 = arith.constant 0 : i32
      %dma_start3A_389 = tpu.memref_slice %arg5[%add3A_387, %dma_start3A_388] : memref<80x128xi32, #tpu.memory_space<vmem>> -> memref<1x128xi32, #tpu.memory_space<vmem>>
      %dma_start3A_390 = tpu.memref_squeeze %dma_start3A_389 : memref<1x128xi32, #tpu.memory_space<vmem>> -> memref<128xi32, #tpu.memory_space<vmem>>
      %dma_start3A_391 = arith.constant 0 : i32
      %dma_start3A_392 = arith.constant 0 : i32
      %dma_start3A_393 = tpu.memref_slice %arg3[%dma_start3A_391, %dma_start3A_392] : memref<1000000x64xf32, #tpu.memory_space<hbm>> -> memref<1000000x64xf32, #tpu.memory_space<hbm>>
      tpu.enqueue_indirect_dma source(%dma_start3A_393 : memref<1000000x64xf32, #tpu.memory_space<hbm>>) target(%arg7 : memref<128x64xf32, #tpu.memory_space<vmem>>) offsets(%dma_start3A_390 : memref<128xi32, #tpu.memory_space<vmem>>) semaphore(%arg15 : memref<!tpu.dma_semaphore, #tpu.memory_space<semaphore_mem>>)
      %mul3A_394 = arith.constant 4 : i32
      %mul3A_395 = arith.muli %add3A_359, %mul3A_394 : i32
      %add3A_396 = arith.constant 1 : i32
      %add3A_397 = arith.addi %mul3A_395, %add3A_396 : i32
      %dma_wait3A_398 = arith.constant 0 : i32
      %dma_wait3A_399 = tpu.memref_slice %arg5[%add3A_397, %dma_wait3A_398] : memref<80x128xi32, #tpu.memory_space<vmem>> -> memref<1x128xi32, #tpu.memory_space<vmem>>
      %dma_wait3A_400 = tpu.memref_squeeze %dma_wait3A_399 : memref<1x128xi32, #tpu.memory_space<vmem>> -> memref<128xi32, #tpu.memory_space<vmem>>
      %dma_wait3A_401 = arith.constant 0 : i32
      %dma_wait3A_402 = arith.constant 0 : i32
      %dma_wait3A_403 = tpu.memref_slice %arg3[%dma_wait3A_401, %dma_wait3A_402] : memref<1000000x64xf32, #tpu.memory_space<hbm>> -> memref<1000000x64xf32, #tpu.memory_space<hbm>>
      tpu.wait_indirect_dma semaphore(%arg16 : memref<!tpu.dma_semaphore, #tpu.memory_space<semaphore_mem>>) src(%dma_wait3A_403 : memref<1000000x64xf32, #tpu.memory_space<hbm>>) dst(%arg8 : memref<128x64xf32, #tpu.memory_space<vmem>>)
      %mul3A_404 = arith.constant 128 : i32
      %mul3A_405 = arith.muli %add3A_397, %mul3A_404 : i32
      %add3A_406 = arith.addi %mul3A_2, %mul3A_405 : i32
      %dma_start3A_407 = arith.constant 0 : i32
      %dma_start3A_408 = tpu.memref_slice %arg4[%add3A_406, %dma_start3A_407] : memref<327680x64xf32, #tpu.memory_space<hbm>> -> memref<128x64xf32, #tpu.memory_space<hbm>>
      %dma_start3A_409 = arith.constant 0 : i32
      %dma_start3A_410 = tpu.memref_slice %arg4[%add3A_406, %dma_start3A_409] : memref<327680x64xf32, #tpu.memory_space<hbm>> -> memref<128x64xf32, #tpu.memory_space<hbm>>
      tpu.enqueue_dma source(%arg8 : memref<128x64xf32, #tpu.memory_space<vmem>>) target(%dma_start3A_410 : memref<128x64xf32, #tpu.memory_space<hbm>>) target_semaphore(%arg24 : memref<!tpu.dma_semaphore, #tpu.memory_space<semaphore_mem>>)
      %sub3A_411 = arith.constant 4 : i32
      %sub3A_412 = arith.subi %add3A_397, %sub3A_411 : i32
      %mul3A_413 = arith.constant 128 : i32
      %mul3A_414 = arith.muli %sub3A_412, %mul3A_413 : i32
      %add3A_415 = arith.addi %mul3A_2, %mul3A_414 : i32
      %dma_wait3A_416 = arith.constant 0 : i32
      %dma_wait3A_417 = tpu.memref_slice %arg4[%add3A_415, %dma_wait3A_416] : memref<327680x64xf32, #tpu.memory_space<hbm>> -> memref<128x64xf32, #tpu.memory_space<hbm>>
      %dma_wait3A_418 = arith.constant 0 : i32
      %dma_wait3A_419 = tpu.memref_slice %arg4[%add3A_415, %dma_wait3A_418] : memref<327680x64xf32, #tpu.memory_space<hbm>> -> memref<128x64xf32, #tpu.memory_space<hbm>>
      tpu.wait_dma2 semaphore(%arg25 : memref<!tpu.dma_semaphore, #tpu.memory_space<semaphore_mem>>) src(%arg9 : memref<128x64xf32, #tpu.memory_space<vmem>>) dst(%dma_wait3A_419 : memref<128x64xf32, #tpu.memory_space<hbm>>)
      %add3A_420 = arith.constant 4 : i32
      %add3A_421 = arith.addi %add3A_397, %add3A_420 : i32
      %dma_start3A_422 = arith.constant 0 : i32
      %dma_start3A_423 = tpu.memref_slice %arg5[%add3A_421, %dma_start3A_422] : memref<80x128xi32, #tpu.memory_space<vmem>> -> memref<1x128xi32, #tpu.memory_space<vmem>>
      %dma_start3A_424 = tpu.memref_squeeze %dma_start3A_423 : memref<1x128xi32, #tpu.memory_space<vmem>> -> memref<128xi32, #tpu.memory_space<vmem>>
      %dma_start3A_425 = arith.constant 0 : i32
      %dma_start3A_426 = arith.constant 0 : i32
      %dma_start3A_427 = tpu.memref_slice %arg3[%dma_start3A_425, %dma_start3A_426] : memref<1000000x64xf32, #tpu.memory_space<hbm>> -> memref<1000000x64xf32, #tpu.memory_space<hbm>>
      tpu.enqueue_indirect_dma source(%dma_start3A_427 : memref<1000000x64xf32, #tpu.memory_space<hbm>>) target(%arg9 : memref<128x64xf32, #tpu.memory_space<vmem>>) offsets(%dma_start3A_424 : memref<128xi32, #tpu.memory_space<vmem>>) semaphore(%arg17 : memref<!tpu.dma_semaphore, #tpu.memory_space<semaphore_mem>>)
      %mul3A_428 = arith.constant 4 : i32
      %mul3A_429 = arith.muli %add3A_359, %mul3A_428 : i32
      %add3A_430 = arith.constant 2 : i32
      %add3A_431 = arith.addi %mul3A_429, %add3A_430 : i32
      %dma_wait3A_432 = arith.constant 0 : i32
      %dma_wait3A_433 = tpu.memref_slice %arg5[%add3A_431, %dma_wait3A_432] : memref<80x128xi32, #tpu.memory_space<vmem>> -> memref<1x128xi32, #tpu.memory_space<vmem>>
      %dma_wait3A_434 = tpu.memref_squeeze %dma_wait3A_433 : memref<1x128xi32, #tpu.memory_space<vmem>> -> memref<128xi32, #tpu.memory_space<vmem>>
      %dma_wait3A_435 = arith.constant 0 : i32
      %dma_wait3A_436 = arith.constant 0 : i32
      %dma_wait3A_437 = tpu.memref_slice %arg3[%dma_wait3A_435, %dma_wait3A_436] : memref<1000000x64xf32, #tpu.memory_space<hbm>> -> memref<1000000x64xf32, #tpu.memory_space<hbm>>
      tpu.wait_indirect_dma semaphore(%arg18 : memref<!tpu.dma_semaphore, #tpu.memory_space<semaphore_mem>>) src(%dma_wait3A_437 : memref<1000000x64xf32, #tpu.memory_space<hbm>>) dst(%arg10 : memref<128x64xf32, #tpu.memory_space<vmem>>)
      %mul3A_438 = arith.constant 128 : i32
      %mul3A_439 = arith.muli %add3A_431, %mul3A_438 : i32
      %add3A_440 = arith.addi %mul3A_2, %mul3A_439 : i32
      %dma_start3A_441 = arith.constant 0 : i32
      %dma_start3A_442 = tpu.memref_slice %arg4[%add3A_440, %dma_start3A_441] : memref<327680x64xf32, #tpu.memory_space<hbm>> -> memref<128x64xf32, #tpu.memory_space<hbm>>
      %dma_start3A_443 = arith.constant 0 : i32
      %dma_start3A_444 = tpu.memref_slice %arg4[%add3A_440, %dma_start3A_443] : memref<327680x64xf32, #tpu.memory_space<hbm>> -> memref<128x64xf32, #tpu.memory_space<hbm>>
      tpu.enqueue_dma source(%arg10 : memref<128x64xf32, #tpu.memory_space<vmem>>) target(%dma_start3A_444 : memref<128x64xf32, #tpu.memory_space<hbm>>) target_semaphore(%arg26 : memref<!tpu.dma_semaphore, #tpu.memory_space<semaphore_mem>>)
      %sub3A_445 = arith.constant 4 : i32
      %sub3A_446 = arith.subi %add3A_431, %sub3A_445 : i32
      %mul3A_447 = arith.constant 128 : i32
      %mul3A_448 = arith.muli %sub3A_446, %mul3A_447 : i32
      %add3A_449 = arith.addi %mul3A_2, %mul3A_448 : i32
      %dma_wait3A_450 = arith.constant 0 : i32
      %dma_wait3A_451 = tpu.memref_slice %arg4[%add3A_449, %dma_wait3A_450] : memref<327680x64xf32, #tpu.memory_space<hbm>> -> memref<128x64xf32, #tpu.memory_space<hbm>>
      %dma_wait3A_452 = arith.constant 0 : i32
      %dma_wait3A_453 = tpu.memref_slice %arg4[%add3A_449, %dma_wait3A_452] : memref<327680x64xf32, #tpu.memory_space<hbm>> -> memref<128x64xf32, #tpu.memory_space<hbm>>
      tpu.wait_dma2 semaphore(%arg27 : memref<!tpu.dma_semaphore, #tpu.memory_space<semaphore_mem>>) src(%arg11 : memref<128x64xf32, #tpu.memory_space<vmem>>) dst(%dma_wait3A_453 : memref<128x64xf32, #tpu.memory_space<hbm>>)
      %add3A_454 = arith.constant 4 : i32
      %add3A_455 = arith.addi %add3A_431, %add3A_454 : i32
      %dma_start3A_456 = arith.constant 0 : i32
      %dma_start3A_457 = tpu.memref_slice %arg5[%add3A_455, %dma_start3A_456] : memref<80x128xi32, #tpu.memory_space<vmem>> -> memref<1x128xi32, #tpu.memory_space<vmem>>
      %dma_start3A_458 = tpu.memref_squeeze %dma_start3A_457 : memref<1x128xi32, #tpu.memory_space<vmem>> -> memref<128xi32, #tpu.memory_space<vmem>>
      %dma_start3A_459 = arith.constant 0 : i32
      %dma_start3A_460 = arith.constant 0 : i32
      %dma_start3A_461 = tpu.memref_slice %arg3[%dma_start3A_459, %dma_start3A_460] : memref<1000000x64xf32, #tpu.memory_space<hbm>> -> memref<1000000x64xf32, #tpu.memory_space<hbm>>
      tpu.enqueue_indirect_dma source(%dma_start3A_461 : memref<1000000x64xf32, #tpu.memory_space<hbm>>) target(%arg11 : memref<128x64xf32, #tpu.memory_space<vmem>>) offsets(%dma_start3A_458 : memref<128xi32, #tpu.memory_space<vmem>>) semaphore(%arg19 : memref<!tpu.dma_semaphore, #tpu.memory_space<semaphore_mem>>)
      %mul3A_462 = arith.constant 4 : i32
      %mul3A_463 = arith.muli %add3A_359, %mul3A_462 : i32
      %add3A_464 = arith.constant 3 : i32
      %add3A_465 = arith.addi %mul3A_463, %add3A_464 : i32
      %dma_wait3A_466 = arith.constant 0 : i32
      %dma_wait3A_467 = tpu.memref_slice %arg5[%add3A_465, %dma_wait3A_466] : memref<80x128xi32, #tpu.memory_space<vmem>> -> memref<1x128xi32, #tpu.memory_space<vmem>>
      %dma_wait3A_468 = tpu.memref_squeeze %dma_wait3A_467 : memref<1x128xi32, #tpu.memory_space<vmem>> -> memref<128xi32, #tpu.memory_space<vmem>>
      %dma_wait3A_469 = arith.constant 0 : i32
      %dma_wait3A_470 = arith.constant 0 : i32
      %dma_wait3A_471 = tpu.memref_slice %arg3[%dma_wait3A_469, %dma_wait3A_470] : memref<1000000x64xf32, #tpu.memory_space<hbm>> -> memref<1000000x64xf32, #tpu.memory_space<hbm>>
      tpu.wait_indirect_dma semaphore(%arg20 : memref<!tpu.dma_semaphore, #tpu.memory_space<semaphore_mem>>) src(%dma_wait3A_471 : memref<1000000x64xf32, #tpu.memory_space<hbm>>) dst(%arg12 : memref<128x64xf32, #tpu.memory_space<vmem>>)
      %mul3A_472 = arith.constant 128 : i32
      %mul3A_473 = arith.muli %add3A_465, %mul3A_472 : i32
      %add3A_474 = arith.addi %mul3A_2, %mul3A_473 : i32
      %dma_start3A_475 = arith.constant 0 : i32
      %dma_start3A_476 = tpu.memref_slice %arg4[%add3A_474, %dma_start3A_475] : memref<327680x64xf32, #tpu.memory_space<hbm>> -> memref<128x64xf32, #tpu.memory_space<hbm>>
      %dma_start3A_477 = arith.constant 0 : i32
      %dma_start3A_478 = tpu.memref_slice %arg4[%add3A_474, %dma_start3A_477] : memref<327680x64xf32, #tpu.memory_space<hbm>> -> memref<128x64xf32, #tpu.memory_space<hbm>>
      tpu.enqueue_dma source(%arg12 : memref<128x64xf32, #tpu.memory_space<vmem>>) target(%dma_start3A_478 : memref<128x64xf32, #tpu.memory_space<hbm>>) target_semaphore(%arg28 : memref<!tpu.dma_semaphore, #tpu.memory_space<semaphore_mem>>)
      %sub3A_479 = arith.constant 4 : i32
      %sub3A_480 = arith.subi %add3A_465, %sub3A_479 : i32
      %mul3A_481 = arith.constant 128 : i32
      %mul3A_482 = arith.muli %sub3A_480, %mul3A_481 : i32
      %add3A_483 = arith.addi %mul3A_2, %mul3A_482 : i32
      %dma_wait3A_484 = arith.constant 0 : i32
      %dma_wait3A_485 = tpu.memref_slice %arg4[%add3A_483, %dma_wait3A_484] : memref<327680x64xf32, #tpu.memory_space<hbm>> -> memref<128x64xf32, #tpu.memory_space<hbm>>
      %dma_wait3A_486 = arith.constant 0 : i32
      %dma_wait3A_487 = tpu.memref_slice %arg4[%add3A_483, %dma_wait3A_486] : memref<327680x64xf32, #tpu.memory_space<hbm>> -> memref<128x64xf32, #tpu.memory_space<hbm>>
      tpu.wait_dma2 semaphore(%arg29 : memref<!tpu.dma_semaphore, #tpu.memory_space<semaphore_mem>>) src(%arg13 : memref<128x64xf32, #tpu.memory_space<vmem>>) dst(%dma_wait3A_487 : memref<128x64xf32, #tpu.memory_space<hbm>>)
      %add3A_488 = arith.constant 4 : i32
      %add3A_489 = arith.addi %add3A_465, %add3A_488 : i32
      %dma_start3A_490 = arith.constant 0 : i32
      %dma_start3A_491 = tpu.memref_slice %arg5[%add3A_489, %dma_start3A_490] : memref<80x128xi32, #tpu.memory_space<vmem>> -> memref<1x128xi32, #tpu.memory_space<vmem>>
      %dma_start3A_492 = tpu.memref_squeeze %dma_start3A_491 : memref<1x128xi32, #tpu.memory_space<vmem>> -> memref<128xi32, #tpu.memory_space<vmem>>
      %dma_start3A_493 = arith.constant 0 : i32
      %dma_start3A_494 = arith.constant 0 : i32
      %dma_start3A_495 = tpu.memref_slice %arg3[%dma_start3A_493, %dma_start3A_494] : memref<1000000x64xf32, #tpu.memory_space<hbm>> -> memref<1000000x64xf32, #tpu.memory_space<hbm>>
      tpu.enqueue_indirect_dma source(%dma_start3A_495 : memref<1000000x64xf32, #tpu.memory_space<hbm>>) target(%arg13 : memref<128x64xf32, #tpu.memory_space<vmem>>) offsets(%dma_start3A_492 : memref<128xi32, #tpu.memory_space<vmem>>) semaphore(%arg21 : memref<!tpu.dma_semaphore, #tpu.memory_space<semaphore_mem>>)
    }
    %scan3A_115 = arith.constant 9 : i32
    %dma_wait3A_116 = arith.constant 76 : i32
    %dma_wait3A_117 = arith.constant 0 : i32
    %dma_wait3A_118 = tpu.memref_slice %arg5[%dma_wait3A_116, %dma_wait3A_117] : memref<80x128xi32, #tpu.memory_space<vmem>> -> memref<1x128xi32, #tpu.memory_space<vmem>>
    %dma_wait3A_119 = tpu.memref_squeeze %dma_wait3A_118 : memref<1x128xi32, #tpu.memory_space<vmem>> -> memref<128xi32, #tpu.memory_space<vmem>>
    %dma_wait3A_120 = arith.constant 0 : i32
    %dma_wait3A_121 = arith.constant 0 : i32
    %dma_wait3A_122 = tpu.memref_slice %arg3[%dma_wait3A_120, %dma_wait3A_121] : memref<1000000x64xf32, #tpu.memory_space<hbm>> -> memref<1000000x64xf32, #tpu.memory_space<hbm>>
    tpu.wait_indirect_dma semaphore(%arg15 : memref<!tpu.dma_semaphore, #tpu.memory_space<semaphore_mem>>) src(%dma_wait3A_122 : memref<1000000x64xf32, #tpu.memory_space<hbm>>) dst(%arg7 : memref<128x64xf32, #tpu.memory_space<vmem>>)
    %add3A_123 = arith.constant 9728 : i32
    %add3A_124 = arith.addi %mul3A_2, %add3A_123 : i32
    %dma_start3A_125 = arith.constant 0 : i32
    %dma_start3A_126 = tpu.memref_slice %arg4[%add3A_124, %dma_start3A_125] : memref<327680x64xf32, #tpu.memory_space<hbm>> -> memref<128x64xf32, #tpu.memory_space<hbm>>
    %dma_start3A_127 = arith.constant 0 : i32
    %dma_start3A_128 = tpu.memref_slice %arg4[%add3A_124, %dma_start3A_127] : memref<327680x64xf32, #tpu.memory_space<hbm>> -> memref<128x64xf32, #tpu.memory_space<hbm>>
    tpu.enqueue_dma source(%arg7 : memref<128x64xf32, #tpu.memory_space<vmem>>) target(%dma_start3A_128 : memref<128x64xf32, #tpu.memory_space<hbm>>) target_semaphore(%arg23 : memref<!tpu.dma_semaphore, #tpu.memory_space<semaphore_mem>>)
    %add3A_129 = arith.constant 9216 : i32
    %add3A_130 = arith.addi %mul3A_2, %add3A_129 : i32
    %dma_wait3A_131 = arith.constant 0 : i32
    %dma_wait3A_132 = tpu.memref_slice %arg4[%add3A_130, %dma_wait3A_131] : memref<327680x64xf32, #tpu.memory_space<hbm>> -> memref<128x64xf32, #tpu.memory_space<hbm>>
    %dma_wait3A_133 = arith.constant 0 : i32
    %dma_wait3A_134 = tpu.memref_slice %arg4[%add3A_130, %dma_wait3A_133] : memref<327680x64xf32, #tpu.memory_space<hbm>> -> memref<128x64xf32, #tpu.memory_space<hbm>>
    tpu.wait_dma2 semaphore(%arg22 : memref<!tpu.dma_semaphore, #tpu.memory_space<semaphore_mem>>) src(%arg6 : memref<128x64xf32, #tpu.memory_space<vmem>>) dst(%dma_wait3A_134 : memref<128x64xf32, #tpu.memory_space<hbm>>)
    %dma_wait3A_135 = arith.constant 77 : i32
    %dma_wait3A_136 = arith.constant 0 : i32
    %dma_wait3A_137 = tpu.memref_slice %arg5[%dma_wait3A_135, %dma_wait3A_136] : memref<80x128xi32, #tpu.memory_space<vmem>> -> memref<1x128xi32, #tpu.memory_space<vmem>>
    %dma_wait3A_138 = tpu.memref_squeeze %dma_wait3A_137 : memref<1x128xi32, #tpu.memory_space<vmem>> -> memref<128xi32, #tpu.memory_space<vmem>>
    %dma_wait3A_139 = arith.constant 0 : i32
    %dma_wait3A_140 = arith.constant 0 : i32
    %dma_wait3A_141 = tpu.memref_slice %arg3[%dma_wait3A_139, %dma_wait3A_140] : memref<1000000x64xf32, #tpu.memory_space<hbm>> -> memref<1000000x64xf32, #tpu.memory_space<hbm>>
    tpu.wait_indirect_dma semaphore(%arg17 : memref<!tpu.dma_semaphore, #tpu.memory_space<semaphore_mem>>) src(%dma_wait3A_141 : memref<1000000x64xf32, #tpu.memory_space<hbm>>) dst(%arg9 : memref<128x64xf32, #tpu.memory_space<vmem>>)
    %add3A_142 = arith.constant 9856 : i32
    %add3A_143 = arith.addi %mul3A_2, %add3A_142 : i32
    %dma_start3A_144 = arith.constant 0 : i32
    %dma_start3A_145 = tpu.memref_slice %arg4[%add3A_143, %dma_start3A_144] : memref<327680x64xf32, #tpu.memory_space<hbm>> -> memref<128x64xf32, #tpu.memory_space<hbm>>
    %dma_start3A_146 = arith.constant 0 : i32
    %dma_start3A_147 = tpu.memref_slice %arg4[%add3A_143, %dma_start3A_146] : memref<327680x64xf32, #tpu.memory_space<hbm>> -> memref<128x64xf32, #tpu.memory_space<hbm>>
    tpu.enqueue_dma source(%arg9 : memref<128x64xf32, #tpu.memory_space<vmem>>) target(%dma_start3A_147 : memref<128x64xf32, #tpu.memory_space<hbm>>) target_semaphore(%arg25 : memref<!tpu.dma_semaphore, #tpu.memory_space<semaphore_mem>>)
    %add3A_148 = arith.constant 9344 : i32
    %add3A_149 = arith.addi %mul3A_2, %add3A_148 : i32
    %dma_wait3A_150 = arith.constant 0 : i32
    %dma_wait3A_151 = tpu.memref_slice %arg4[%add3A_149, %dma_wait3A_150] : memref<327680x64xf32, #tpu.memory_space<hbm>> -> memref<128x64xf32, #tpu.memory_space<hbm>>
    %dma_wait3A_152 = arith.constant 0 : i32
    %dma_wait3A_153 = tpu.memref_slice %arg4[%add3A_149, %dma_wait3A_152] : memref<327680x64xf32, #tpu.memory_space<hbm>> -> memref<128x64xf32, #tpu.memory_space<hbm>>
    tpu.wait_dma2 semaphore(%arg24 : memref<!tpu.dma_semaphore, #tpu.memory_space<semaphore_mem>>) src(%arg8 : memref<128x64xf32, #tpu.memory_space<vmem>>) dst(%dma_wait3A_153 : memref<128x64xf32, #tpu.memory_space<hbm>>)
    %dma_wait3A_154 = arith.constant 78 : i32
    %dma_wait3A_155 = arith.constant 0 : i32
    %dma_wait3A_156 = tpu.memref_slice %arg5[%dma_wait3A_154, %dma_wait3A_155] : memref<80x128xi32, #tpu.memory_space<vmem>> -> memref<1x128xi32, #tpu.memory_space<vmem>>
    %dma_wait3A_157 = tpu.memref_squeeze %dma_wait3A_156 : memref<1x128xi32, #tpu.memory_space<vmem>> -> memref<128xi32, #tpu.memory_space<vmem>>
    %dma_wait3A_158 = arith.constant 0 : i32
    %dma_wait3A_159 = arith.constant 0 : i32
    %dma_wait3A_160 = tpu.memref_slice %arg3[%dma_wait3A_158, %dma_wait3A_159] : memref<1000000x64xf32, #tpu.memory_space<hbm>> -> memref<1000000x64xf32, #tpu.memory_space<hbm>>
    tpu.wait_indirect_dma semaphore(%arg19 : memref<!tpu.dma_semaphore, #tpu.memory_space<semaphore_mem>>) src(%dma_wait3A_160 : memref<1000000x64xf32, #tpu.memory_space<hbm>>) dst(%arg11 : memref<128x64xf32, #tpu.memory_space<vmem>>)
    %add3A_161 = arith.constant 9984 : i32
    %add3A_162 = arith.addi %mul3A_2, %add3A_161 : i32
    %dma_start3A_163 = arith.constant 0 : i32
    %dma_start3A_164 = tpu.memref_slice %arg4[%add3A_162, %dma_start3A_163] : memref<327680x64xf32, #tpu.memory_space<hbm>> -> memref<128x64xf32, #tpu.memory_space<hbm>>
    %dma_start3A_165 = arith.constant 0 : i32
    %dma_start3A_166 = tpu.memref_slice %arg4[%add3A_162, %dma_start3A_165] : memref<327680x64xf32, #tpu.memory_space<hbm>> -> memref<128x64xf32, #tpu.memory_space<hbm>>
    tpu.enqueue_dma source(%arg11 : memref<128x64xf32, #tpu.memory_space<vmem>>) target(%dma_start3A_166 : memref<128x64xf32, #tpu.memory_space<hbm>>) target_semaphore(%arg27 : memref<!tpu.dma_semaphore, #tpu.memory_space<semaphore_mem>>)
    %add3A_167 = arith.constant 9472 : i32
    %add3A_168 = arith.addi %mul3A_2, %add3A_167 : i32
    %dma_wait3A_169 = arith.constant 0 : i32
    %dma_wait3A_170 = tpu.memref_slice %arg4[%add3A_168, %dma_wait3A_169] : memref<327680x64xf32, #tpu.memory_space<hbm>> -> memref<128x64xf32, #tpu.memory_space<hbm>>
    %dma_wait3A_171 = arith.constant 0 : i32
    %dma_wait3A_172 = tpu.memref_slice %arg4[%add3A_168, %dma_wait3A_171] : memref<327680x64xf32, #tpu.memory_space<hbm>> -> memref<128x64xf32, #tpu.memory_space<hbm>>
    tpu.wait_dma2 semaphore(%arg26 : memref<!tpu.dma_semaphore, #tpu.memory_space<semaphore_mem>>) src(%arg10 : memref<128x64xf32, #tpu.memory_space<vmem>>) dst(%dma_wait3A_172 : memref<128x64xf32, #tpu.memory_space<hbm>>)
    %dma_wait3A_173 = arith.constant 79 : i32
    %dma_wait3A_174 = arith.constant 0 : i32
    %dma_wait3A_175 = tpu.memref_slice %arg5[%dma_wait3A_173, %dma_wait3A_174] : memref<80x128xi32, #tpu.memory_space<vmem>> -> memref<1x128xi32, #tpu.memory_space<vmem>>
    %dma_wait3A_176 = tpu.memref_squeeze %dma_wait3A_175 : memref<1x128xi32, #tpu.memory_space<vmem>> -> memref<128xi32, #tpu.memory_space<vmem>>
    %dma_wait3A_177 = arith.constant 0 : i32
    %dma_wait3A_178 = arith.constant 0 : i32
    %dma_wait3A_179 = tpu.memref_slice %arg3[%dma_wait3A_177, %dma_wait3A_178] : memref<1000000x64xf32, #tpu.memory_space<hbm>> -> memref<1000000x64xf32, #tpu.memory_space<hbm>>
    tpu.wait_indirect_dma semaphore(%arg21 : memref<!tpu.dma_semaphore, #tpu.memory_space<semaphore_mem>>) src(%dma_wait3A_179 : memref<1000000x64xf32, #tpu.memory_space<hbm>>) dst(%arg13 : memref<128x64xf32, #tpu.memory_space<vmem>>)
    %add3A_180 = arith.constant 10112 : i32
    %add3A_181 = arith.addi %mul3A_2, %add3A_180 : i32
    %dma_start3A_182 = arith.constant 0 : i32
    %dma_start3A_183 = tpu.memref_slice %arg4[%add3A_181, %dma_start3A_182] : memref<327680x64xf32, #tpu.memory_space<hbm>> -> memref<128x64xf32, #tpu.memory_space<hbm>>
    %dma_start3A_184 = arith.constant 0 : i32
    %dma_start3A_185 = tpu.memref_slice %arg4[%add3A_181, %dma_start3A_184] : memref<327680x64xf32, #tpu.memory_space<hbm>> -> memref<128x64xf32, #tpu.memory_space<hbm>>
    tpu.enqueue_dma source(%arg13 : memref<128x64xf32, #tpu.memory_space<vmem>>) target(%dma_start3A_185 : memref<128x64xf32, #tpu.memory_space<hbm>>) target_semaphore(%arg29 : memref<!tpu.dma_semaphore, #tpu.memory_space<semaphore_mem>>)
    %add3A_186 = arith.constant 9600 : i32
    %add3A_187 = arith.addi %mul3A_2, %add3A_186 : i32
    %dma_wait3A_188 = arith.constant 0 : i32
    %dma_wait3A_189 = tpu.memref_slice %arg4[%add3A_187, %dma_wait3A_188] : memref<327680x64xf32, #tpu.memory_space<hbm>> -> memref<128x64xf32, #tpu.memory_space<hbm>>
    %dma_wait3A_190 = arith.constant 0 : i32
    %dma_wait3A_191 = tpu.memref_slice %arg4[%add3A_187, %dma_wait3A_190] : memref<327680x64xf32, #tpu.memory_space<hbm>> -> memref<128x64xf32, #tpu.memory_space<hbm>>
    tpu.wait_dma2 semaphore(%arg28 : memref<!tpu.dma_semaphore, #tpu.memory_space<semaphore_mem>>) src(%arg12 : memref<128x64xf32, #tpu.memory_space<vmem>>) dst(%dma_wait3A_191 : memref<128x64xf32, #tpu.memory_space<hbm>>)
    %add3A_192 = arith.constant 9728 : i32
    %add3A_193 = arith.addi %mul3A_2, %add3A_192 : i32
    %dma_wait3A_194 = arith.constant 0 : i32
    %dma_wait3A_195 = tpu.memref_slice %arg4[%add3A_193, %dma_wait3A_194] : memref<327680x64xf32, #tpu.memory_space<hbm>> -> memref<128x64xf32, #tpu.memory_space<hbm>>
    %dma_wait3A_196 = arith.constant 0 : i32
    %dma_wait3A_197 = tpu.memref_slice %arg4[%add3A_193, %dma_wait3A_196] : memref<327680x64xf32, #tpu.memory_space<hbm>> -> memref<128x64xf32, #tpu.memory_space<hbm>>
    tpu.wait_dma2 semaphore(%arg23 : memref<!tpu.dma_semaphore, #tpu.memory_space<semaphore_mem>>) src(%arg7 : memref<128x64xf32, #tpu.memory_space<vmem>>) dst(%dma_wait3A_197 : memref<128x64xf32, #tpu.memory_space<hbm>>)
    %add3A_198 = arith.constant 9856 : i32
    %add3A_199 = arith.addi %mul3A_2, %add3A_198 : i32
    %dma_wait3A_200 = arith.constant 0 : i32
    %dma_wait3A_201 = tpu.memref_slice %arg4[%add3A_199, %dma_wait3A_200] : memref<327680x64xf32, #tpu.memory_space<hbm>> -> memref<128x64xf32, #tpu.memory_space<hbm>>
    %dma_wait3A_202 = arith.constant 0 : i32
    %dma_wait3A_203 = tpu.memref_slice %arg4[%add3A_199, %dma_wait3A_202] : memref<327680x64xf32, #tpu.memory_space<hbm>> -> memref<128x64xf32, #tpu.memory_space<hbm>>
    tpu.wait_dma2 semaphore(%arg25 : memref<!tpu.dma_semaphore, #tpu.memory_space<semaphore_mem>>) src(%arg9 : memref<128x64xf32, #tpu.memory_space<vmem>>) dst(%dma_wait3A_203 : memref<128x64xf32, #tpu.memory_space<hbm>>)
    %add3A_204 = arith.constant 9984 : i32
    %add3A_205 = arith.addi %mul3A_2, %add3A_204 : i32
    %dma_wait3A_206 = arith.constant 0 : i32
    %dma_wait3A_207 = tpu.memref_slice %arg4[%add3A_205, %dma_wait3A_206] : memref<327680x64xf32, #tpu.memory_space<hbm>> -> memref<128x64xf32, #tpu.memory_space<hbm>>
    %dma_wait3A_208 = arith.constant 0 : i32
    %dma_wait3A_209 = tpu.memref_slice %arg4[%add3A_205, %dma_wait3A_208] : memref<327680x64xf32, #tpu.memory_space<hbm>> -> memref<128x64xf32, #tpu.memory_space<hbm>>
    tpu.wait_dma2 semaphore(%arg27 : memref<!tpu.dma_semaphore, #tpu.memory_space<semaphore_mem>>) src(%arg11 : memref<128x64xf32, #tpu.memory_space<vmem>>) dst(%dma_wait3A_209 : memref<128x64xf32, #tpu.memory_space<hbm>>)
    %add3A_210 = arith.constant 10112 : i32
    %add3A_211 = arith.addi %mul3A_2, %add3A_210 : i32
    %dma_wait3A_212 = arith.constant 0 : i32
    %dma_wait3A_213 = tpu.memref_slice %arg4[%add3A_211, %dma_wait3A_212] : memref<327680x64xf32, #tpu.memory_space<hbm>> -> memref<128x64xf32, #tpu.memory_space<hbm>>
    %dma_wait3A_214 = arith.constant 0 : i32
    %dma_wait3A_215 = tpu.memref_slice %arg4[%add3A_211, %dma_wait3A_214] : memref<327680x64xf32, #tpu.memory_space<hbm>> -> memref<128x64xf32, #tpu.memory_space<hbm>>
    tpu.wait_dma2 semaphore(%arg29 : memref<!tpu.dma_semaphore, #tpu.memory_space<semaphore_mem>>) src(%arg13 : memref<128x64xf32, #tpu.memory_space<vmem>>) dst(%dma_wait3A_215 : memref<128x64xf32, #tpu.memory_space<hbm>>)
    return
  }
}

</mosaic_0001>

<sc_bundles>
// kernel: kernel.3.cloned.1.call-start
scs
__scs_entry_jumppad:
0x0: {  	(pc) =	sbr.rel $0x88, $3  }
0x1: {  	(tag) =	ssettag $0x0;
	lr =	simm.s32 $0x1  }
0x2: {  	[smem:$0x3F9F] =	sst lr;
	_ =	strace $0xD0000000  }
0x3: {  	_ = 	snop  }
0x4: {  	_ = 	snop  }
0x5: {  	_ = 	snop  }
0x6: {  	_ = 	snop  }
0x7: {  	_ = 	snop  }
__scs_overlays_trampoline_lowered:
0x8: {  	[smem:$0x3FAE] =	sst s0  }
0x9: {  	[smem:$0x3FAF] =	sst s1  }
0xa: {  	[smem:$0x3FB0] =	sst s2  }
0xb: {  	[smem:$0x3FB1] =	sst s3  }
0xc: {  	[smem:$0x3FB2] =	sst s4  }
0xd: {  	[smem:$0x3FB3] =	sst s5  }
0xe: {  	[smem:$0x3FB4] =	sst s6  }
0xf: {  	[smem:$0x3FB5] =	sst s7  }
0x10: {  	[smem:$0x3FB6] =	sst s8  }
0x11: {  	[smem:$0x3FB7] =	sst s9;
	s0 =	simm.s32 @!p0 $0x0  }
0x12: {  	s1 =	sld [smem:$0x3F9D];
	s0 =	simm.s32 @p0 $0x1  }
0x13: {  	[smem:$0x3FB8] =	sst s0;
	s0 =	simm.s32 @!p1 $0x0  }
0x14: {  	s2 =	sld [smem:$0x3F9C];
	s0 =	simm.s32 @p1 $0x1  }
0x15: {  	[smem:$0x3FB9] =	sst s0;
	s0 =	simm.s32 @!p2 $0x0  }
0x16: {  	s3 =	sld [smem:$0x3FDB];
	s0 =	simm.s32 @p2 $0x1  }
0x17: {  	s4 =	simm.s32 $0x1BF5;
	[smem:$0x3FBB] =	sst s0  }
0x18: {  	s0 =	sld [smem:$0x3F9E];
	_ =	swait.ge [sflag:s4], $0x0  }
0x19: {  	s7 =	sld [smem:$0x3F9F]  }
0x1a: {  	s8 =	sadd.s32 $0xFFFFE003, lr  }
0x1b: {  	s9 =	sadd.s32 $0xFFFFFEF7, lr;
	s5 =	simm.s32 $0xFFFFFFFF;
	p2 =	slt.u32 s8, $0xFFFFF086  }
0x1c: {  	p1 =	slt.u32 s9, $0xF7A;
	s5 =	simm.s32 @!p2 $0x0  }
0x1d: {  	s5 =	simm.s32 @p1 $0x1;
	p0 =	seq.s32 s7, s2  }
0x1e: {  	s7 =	smul.u32 @!p0 $0xF7A, s2;
	p2 =	seq.s32 @!p0 s5, $0x0  }
0x1f: {  	s9 =	smul.u32 $0xF7A, s1;
	s8 =	simm.s32 @!p0 $0x1BF5;
	p2 =	por !p2, p0  }
0x20: {  	[sflag:s8] =	ssyncset.s32 @!p0 $0xFFFFF086;
	s6 =	sadd.s32 @!p0 s3, s7;
	s7 =	simm.s32 @!p0 $0x108  }
0x21: {  	s3 =	sadd.s32 s3, s9;
	s6 =	sadd.s32 @!p0 $0x88, s6;
	s7 =	simm.s32 @p2 $0x1082  }
0x22: {  	[simem:s7], [sflag:s8] =	dma.local @!p0 [hbm:s6], $0xF7A  }
0x23: {  	s9 =	sor.u32 $0xD0000000, s2;
	s6 =	simm.s32 $0x108;
	_ =	swait.ge @!p0 [sflag:s8], $0x0  }
0x24: {  	s3 =	sadd.s32 $0x88, s3;
	s6 =	simm.s32 @!p1 $0x1082;
	[sflag:s4] =	ssyncset.s32 $0xFFFFF086  }
0x25: {  	[simem:s6], [sflag:s4] =	dma.local [hbm:s3], $0xF7A  }
0x26: {  	[smem:$0x3F9F] =	sst s1;
	(tag) =	ssettag s2;
	_ =	strace s9  }
0x27: {  	s1 =	sld [smem:$0x3FAF]  }
0x28: {  	s2 =	sld [smem:$0x3FB0]  }
0x29: {  	s4 =	sld [smem:$0x3FB2]  }
0x2a: {  	p0 =	seq.s32 s5, $0x0;
	s5 =	sld [smem:$0x3FB3]  }
0x2b: {  	s6 =	sld [smem:$0x3FB4]  }
0x2c: {  	s7 =	sld [smem:$0x3FB5]  }
0x2d: {  	s3 =	simm.s32 $0x108;
	s8 =	sld [smem:$0x3FB6]  }
0x2e: {  	s3 =	simm.s32 @!p0 $0x1082;
	s9 =	sld [smem:$0x3FB7]  }
0x2f: {  	lr =	sadd.s32 s0, s3;
	s0 =	sld [smem:$0x3FAE]  }
0x30: {  	s3 =	sld [smem:$0x3FB1]  }
0x31: {  	[smem:$0x3FBA] =	sst s10  }
0x32: {  	s10 =	sld [smem:$0x3FB8];
	_ =	sdelay $0x3  }
0x33: {  	p0 =	seq.s32 s10, $0x1;
	s10 =	sld [smem:$0x3FBA];
	_ =	sdelay $0x3  }
0x34: {  	[smem:$0x3FBA] =	sst s10  }
0x35: {  	s10 =	sld [smem:$0x3FB9];
	_ =	sdelay $0x3  }
0x36: {  	p1 =	seq.s32 s10, $0x1;
	s10 =	sld [smem:$0x3FBA];
	_ =	sdelay $0x3  }
0x37: {  	[smem:$0x3FBA] =	sst s10  }
0x38: {  	s10 =	sld [smem:$0x3FBB]  }
0x39: {  	_ = 	snop;
	(pc) =	sbr.ind lr, $3  }
0x3a: {  	_ = 	snop  }
0x3b: {  	_ = 	snop  }
0x3c: {  	p2 =	seq.s32 s10, $0x1;
	s10 =	sld [smem:$0x3FBA]  }
0x3d: {  	_ =	shalt  }
0x3e: {  	_ =	shalt  }
0x3f: {  	_ =	shalt  }
0x40: {  	_ =	shalt  }
0x41: {  	_ =	shalt  }
0x42: {  	_ =	shalt  }
0x43: {  	_ =	shalt  }
0x44: {  	_ =	shalt  }
0x45: {  	_ =	shalt  }
0x46: {  	_ =	shalt  }
0x47: {  	_ =	shalt  }
0x48: {  	_ =	shalt  }
0x49: {  	_ =	shalt  }
0x4a: {  	_ =	shalt  }
0x4b: {  	_ =	shalt  }
0x4c: {  	_ =	shalt  }
0x4d: {  	_ =	shalt  }
0x4e: {  	_ =	shalt  }
0x4f: {  	_ =	shalt  }
0x50: {  	_ =	shalt  }
0x51: {  	_ =	shalt  }
0x52: {  	_ =	shalt  }
0x53: {  	_ =	shalt  }
0x54: {  	_ =	shalt  }
0x55: {  	_ =	shalt  }
0x56: {  	_ =	shalt  }
0x57: {  	_ =	shalt  }
0x58: {  	_ =	shalt  }
0x59: {  	_ =	shalt  }
0x5a: {  	_ =	shalt  }
0x5b: {  	_ =	shalt  }
0x5c: {  	_ =	shalt  }
0x5d: {  	_ =	shalt  }
0x5e: {  	_ =	shalt  }
0x5f: {  	_ =	shalt  }
0x60: {  	_ =	shalt  }
0x61: {  	_ =	shalt  }
0x62: {  	_ =	shalt  }
0x63: {  	_ =	shalt  }
0x64: {  	_ =	shalt  }
0x65: {  	_ =	shalt  }
0x66: {  	_ =	shalt  }
0x67: {  	_ =	shalt  }
0x68: {  	_ =	shalt  }
0x69: {  	_ =	shalt  }
0x6a: {  	_ =	shalt  }
0x6b: {  	_ =	shalt  }
0x6c: {  	_ =	shalt  }
0x6d: {  	_ =	shalt  }
0x6e: {  	_ =	shalt  }
0x6f: {  	_ =	shalt  }
0x70: {  	_ =	shalt  }
0x71: {  	_ =	shalt  }
0x72: {  	_ =	shalt  }
0x73: {  	_ =	shalt  }
0x74: {  	_ =	shalt  }
0x75: {  	_ =	shalt  }
0x76: {  	_ =	shalt  }
0x77: {  	_ =	shalt  }
0x78: {  	_ =	shalt  }
0x79: {  	_ =	shalt  }
0x7a: {  	_ =	shalt  }
0x7b: {  	_ =	shalt  }
0x7c: {  	_ =	shalt  }
0x7d: {  	_ =	shalt  }
0x7e: {  	_ =	shalt  }
0x7f: {  	_ =	shalt  }
0x80: {  	_ =	shalt  }
0x81: {  	_ =	shalt  }
0x82: {  	_ =	shalt  }
0x83: {  	_ =	shalt  }
0x84: {  	_ =	shalt  }
0x85: {  	_ =	shalt  }
0x86: {  	_ =	shalt  }
0x87: {  	_ =	shalt  }
.Lfunc_end0:
.L_simem_size_0:
called_computation.1_lowered:
.L_overlay_start_0:
0x88: {  	s2 =	sld [smem:$0x3FD9]  }
0x89: {  	s3 =	sld [smem:$0x3FFE];
	_ =	sdelay $0x1  }
0x8a: {  	s1 =	srdreg.scid  }
0x8b: {  	s0 =	sand.u32 $0x1, s1  }
0x8c: {  	s17 =	sshll.u32 s0, $0xA;
	s2 =	sadd.s32 s3, s2  }
0x8d: {  	s2 =	sadd.s32 s2, s17  }
0x8e: {  	[smem:$0x3FC6] =	sst s2  }
0x8f: {  	_ = 	snop  }
0x90: {  	s2 =	sld [smem:$0x3FD0];
	(tm) =	ssettm $0x1  }
0x91: {  	s18 =	sld [smem:$0x3FFB];
	_ =	sdelay $0x3  }
0x92: {  	_ =	strace s18  }
0x93: {  	s3 =	sld [smem:$0x3FFC];
	_ =	sdelay $0x3  }
0x94: {  	_ =	strace s3  }
0x95: {  	s3 =	sld [smem:$0x3FFD];
	_ =	sdelay $0x3  }
0x96: {  	_ =	strace s3  }
0x97: {  	_ =	strace $0x8FFFFFFF  }
0x98: {  	s19 =	sld [smem:$0x3FDB];
	_ =	sdelay $0x1  }
0x99: {  	s4 =	simm.s32 $_scs_section_size  }
0x9a: {  	s5 =	simm.s32 $_size__tile_overlayer_lowered;
	s6 =	simm.s32 $_tile_overlayer_lowered  }
0x9b: {  	s22 =	simm.s32 $0x1BFF;
	s21 =	sshll.u32 s6, $0x1;
	s3 =	sadd.s32 s4, s19  }
0x9c: {  	s7 =	simm.s32 $0x0;
	s20 =	sshll.u32 s5, $0x1;
	s5 =	sadd.s32 s21, s3  }
0x9d: {  	[timem:s7], [sflag:s22] =	dma.local [hbm:s5], s20  }
0x9e: {  	_ =	swait.ge [sflag:s22], s20  }
0x9f: {  	s4 =	ssub.s32 $0x0, s20;
	[sflag:s22] =	ssyncset.done $0x0  }
0xa0: {  	[sflag:s22] =	ssyncadd.s32 s4;
	_ =	sdelay $0x1  }
0xa1: {  	s23 =	simm.s32 $0x1B8B  }
0xa2: {  	_ =	swait.ge [sflag:s23], $0x1  }
0xa3: {  	[sflag:s23] =	ssyncset.done $0x0  }
0xa4: {  	s25 =	simm.s32 $0x1B8E;
	s24 =	sld [smem:$0x3FFE];
	[sflag:s23] =	ssyncadd.s32 $0xFFFFFFFF  }
0xa5: {  	s26 =	simm.s32 $execute0_lowered;
	[smem:$0x3FD2] =	sst s25  }
0xa6: {  	s5 =	sshll.u32 s26, $0x1;
	_ =	strace $0x80000046;
	[dreg:$0x1] =	wrdreg $0xFFFFFFFF  }
0xa7: {  	s28 =	simm.s32 $_size_execute0_lowered;
	s3 =	sadd.s32 s3, s5;
	[dreg:$0x0] =	wrdreg $0x0  }
0xa8: {  	s5 =	sshll.u32 s28, $0x1;
	[dreg:$0x2] =	wrdreg s3  }
0xa9: {  	[dreg:$0x3] =	wrdreg s5  }
0xaa: {  	[dreg:$0x4] =	wrdreg $0xC0  }
0xab: {  	_ =	task [dreg:s7], $0x5FFFF  }
0xac: {  	[dreg:$0x1] =	wrdreg $0xFFFFFFFF  }
0xad: {  	[dreg:$0x0] =	wrdreg $0x60  }
0xae: {  	[dreg:$0x2] =	wrdreg s24  }
0xaf: {  	[dreg:$0x3] =	wrdreg s2  }
0xb0: {  	[dreg:$0x4] =	wrdreg $0x9  }
0xb1: {  	_ =	task.clear_ibuf [dreg:s7], $0x5FFFF;
	_ =	strace $0x90000046  }
0xb2: {  	s29 =	simm.s32 $0x9;
	_ =	strace $0x80000048  }
0xb3: {  	_ =	swait.ge [sflag:s29], $0x1  }
0xb4: {  	[sflag:s29] =	ssyncadd.s32 $0xFFFFFFFF  }
0xb5: {  	_ =	strace $0x90000048  }
0xb6: {  	_ =	sfence  }
0xb7: {  	s30 =	sld [smem:$0x0];
	_ =	sdelay $0x2  }
0xb8: {  	s31 =	sshll.u32 s1, $0xD;
	s1 =	sshrl.u32 s1, $0x2  }
0xb9: {  	s3 =	sand.u32 $0x4000, s31;
	s1 =	sadd.s32 s1, s30  }
0xba: {  	s0 =	sor.u32 s3, s0;
	s1 =	sshll.u32 s1, $0x11  }
0xbb: {  	s0 =	sor.u32 s1, s0  }
0xbc: {  	s0 =	sadd.s32 $0x8F2B, s0  }
0xbd: {  	[sflag:s0] =	ssyncadd.remote.s32 $0x1  }
0xbe: {  	_ =	sfence.sel $0xFFFF  }
0xbf: {  	[dreg:$0x0] =	wrdreg $0xFFFFFFFF;
	(pc) =	sbr.abs _section_cstart, $3  }
0xc0: {  	[dreg:$0x1] =	wrdreg $0xFFFFFFFF  }
0xc1: {  	_ =	task.clear_ibuf [dreg:s7], $0x2FFFF;
	_ =	strace $0x9FFFFFFF  }
0xc2: {  	(tm) =	ssettm $0x7FFFFFFF  }
0xc3: {  	_ =	shalt  }
tec
execute0_lowered:
.L_overlay_start_1:
0x0: {  	(tag) =	ssettag $0x1  }
0x1: {  	s0 =	srdreg.scid;
	s11 =	stileid.u32  }
0x2: {  	s1 =	rddreg [dreg:$0x0];
	s7 =	smul.u32 $0x140000, s11  }
0x3: {  	s0 =	sand.u32 $0x1, s0;
	s2 =	sshll.u32 s11, $0x1;
	s11 =	smul.u32 $0x5000, s11  }
0x4: {  	s4 =	rddreg [dreg:$0x1];
	s28 =	simm.s32 $0x8800;
	s10 =	smul.u32 $0xA0000, s0  }
0x5: {  	s5 =	sor.u32 s0, s2;
	s9 =	ssub.s32 $0x2, s0;
	s0 =	smul.u32 $0x2800, s0  }
0x6: {  	s29 =	simm.s32 $0x5;
	s31 =	simm.s32 $0xC800;
	s3 =	smul.u32 $0x500, s5  }
0x7: {  	s30 =	simm.s32 $0xB;
	s2 =	simm.s32 $0x0;
	s6 =	smul.u32 $0x14000, s5  }
0x8: {  	[smem:$0x7FF] =	sst s2;
	s25 =	sshrl.u32 s9, $0x1;
	s5 =	smul.u32 $0xA0000, s5  }
0x9: {  	_ =	strace $0x80000047;
	s14 =	sadd.s32 s10, s7;
	s0 =	sadd.s32 s0, s11  }
0xa: {  	s10 =	simm.s32 $0xE;
	s11 =	simm.s32 $0x10;
	s8 =	sadd.s32 s3, s1  }
0xb: {  	s3 =	sadd.s32 $0xF42E00, s1;
	s1 =	ssub.s32 s9, s25;
	s26 =	sadd.s32 s4, s6  }
0xc: {  	s16 =	sor.u32 $0x8000, s14;
	s12 =	sadd.s32 $0xA00, s8;
	[dreg:$0xb] =	wrdreg s26  }
0xd: {  	s0 =	sshll.u32 s0, $0x3;
	s13 =	sadd.s32 $0x400, s26;
	[dreg:$0xc] =	wrdreg s12  }
0xe: {  	s5 =	sshrl.u32 s5, $0x3;
	s15 =	sadd.s32 $0x800, s26;
	[dreg:$0xd] =	wrdreg s13  }
0xf: {  	s6 =	sor.u32 $0x10000, s14;
	s17 =	sadd.s32 $0xC00, s26;
	[dreg:$0xe] =	wrdreg s15  }
0x10: {  	s7 =	sshrl.u32 s16, $0x3;
	s1 =	smax.u32 s1, $0x1;
	[dreg:$0xf] =	wrdreg s17  }
0x11: {  	s0 =	sadd.s32 s0, s4;
	s7 =	sadd.s32 s7, s4;
	[dreg:$0x14] =	wrdreg s1  }
0x12: {  	s9 =	simm.s32 $0xC;
	s18 =	sadd.s32 $0x1C00, s0;
	[dreg:$0x3] =	wrdreg s7  }
0x13: {  	s6 =	sshrl.u32 s6, $0x3;
	s19 =	sadd.s32 $0x1800, s0;
	[dreg:$0x4] =	wrdreg s18  }
0x14: {  	s5 =	sadd.s32 s4, s5;
	s20 =	sadd.s32 $0x1400, s0;
	[dreg:$0x5] =	wrdreg s19  }
0x15: {  	s16 =	simm.s32 $0x2800;
	s21 =	sadd.s32 $0x13000, s5;
	[dreg:$0x6] =	wrdreg s20  }
0x16: {  	s8 =	simm.s32 $0xA;
	s4 =	sadd.s32 s6, s4;
	[dreg:$0x10] =	wrdreg s21  }
0x17: {  	s22 =	sadd.s32 $0x2C00, s0;
	s23 =	sadd.s32 $0x13400, s5;
	[dreg:$0x7] =	wrdreg s4  }
0x18: {  	s24 =	sadd.s32 $0x2800, s0;
	s25 =	sadd.s32 $0x13800, s5;
	[dreg:$0x11] =	wrdreg s23  }
0x19: {  	s0 =	sadd.s32 $0x2400, s0;
	s26 =	sadd.s32 $0x13C00, s5;
	[dreg:$0x8] =	wrdreg s22  }
0x1a: {  	s15 =	simm.s32 $0x80;
	s17 =	simm.s32 $0x6800;
	[dreg:$0x12] =	wrdreg s25  }
0x1b: {  	s1 =	simm.s32 $0x7;
	s5 =	simm.s32 $0xD;
	[dreg:$0x9] =	wrdreg s24  }
0x1c: {  	s6 =	simm.s32 $0x8;
	s12 =	simm.s32 $0x0;
	[dreg:$0x13] =	wrdreg s26  }
0x1d: {  	[dreg:$0xa] =	wrdreg s0;
	s19 =	simm.s32 $0xA800;
	s21 =	simm.s32 $0xE800  }
0x1e: {  	s22 =	simm.s32 $0x1;
	s24 =	simm.s32 $0x4800;
	s25 =	simm.s32 $0x3  }
0x1f: {  	s18 =	simm.s32 $0x10800;
	s20 =	simm.s32 $0x2;
	s23 =	simm.s32 $0x9  }
0x20: {  	s26 =	simm.s32 $0x4;
	s0 =	simm.s32 $0x6;
	s7 =	simm.s32 $0xF  }
.LBB2_1:
0x21: {  	[dreg:$0x15] =	wrdreg s12  }
0x22: {  	s4 =	rddreg [dreg:$0xc];
	s13 =	simm.s32 $0x11  }
0x23: {  	[tilespmem:s2], [sflag:$0x11] =	stream.linear.gather [hbm4b:s4+s2], $0x2800, $0x38;
	[tilespmem:$0x12800] =	vst v63  }
0x24: {  	_ =	swait.ge [sflag:s13], $0x2800  }
0x25: {  	[sflag:s13] =	ssyncset.done $0x0  }
0x26: {  	[sflag:s13] =	ssyncadd.s32 $0xFFFFD800  }
0x27: {  	[tilespmem:s16], [sflag:$0x1] =	stream.indirect.gather [hbm4b:s3+s15], $0x40, s2, s15, $0xb8;
	[tilespmem:$0x12800] =	vst v63  }
0x28: {  	_ = 	snop  }
0x29: {  	[tilespmem:s17], [sflag:$0x3] =	stream.indirect.gather [hbm4b:s3+s15], $0x40, s15, s15, $0xb8;
	[tilespmem:$0x12800] =	vst v63  }
0x2a: {  	s14 =	simm.s32 $0x100  }
0x2b: {  	[tilespmem:s19], [sflag:$0x5] =	stream.indirect.gather [hbm4b:s3+s15], $0x40, s14, s15, $0xb8;
	[tilespmem:$0x12800] =	vst v63  }
0x2c: {  	s12 =	simm.s32 $0x180  }
0x2d: {  	[tilespmem:s21], [sflag:$0x7] =	stream.indirect.gather [hbm4b:s3+s15], $0x40, s12, s15, $0xb8;
	[tilespmem:$0x12800] =	vst v63  }
0x2e: {  	_ =	swait.ge [sflag:s22], $0x2000  }
0x2f: {  	[sflag:s22] =	ssyncset.done $0x0  }
0x30: {  	s13 =	rddreg [dreg:$0xb];
	[sflag:s22] =	ssyncadd.s32 $0xFFFFE000  }
0x31: {  	[hbm4b:s13+s2] =	stream.linear.scatter [tilespmem:s16], [sflag:$0x9], $0x2000, $0x38;
	[tilespmem:$0x12800] =	vst v63  }
0x32: {  	s14 =	simm.s32 $0x200  }
0x33: {  	[tilespmem:s24], [sflag:$0x2] =	stream.indirect.gather [hbm4b:s3+s15], $0x40, s14, s15, $0xb8;
	[tilespmem:$0x12800] =	vst v63  }
0x34: {  	_ =	swait.ge [sflag:s25], $0x2000  }
0x35: {  	[sflag:s25] =	ssyncset.done $0x0  }
0x36: {  	s12 =	rddreg [dreg:$0xd];
	[sflag:s25] =	ssyncadd.s32 $0xFFFFE000  }
0x37: {  	[hbm4b:s12+s2] =	stream.linear.scatter [tilespmem:s17], [sflag:$0xB], $0x2000, $0x38;
	[tilespmem:$0x12800] =	vst v63  }
0x38: {  	s13 =	simm.s32 $0x280  }
0x39: {  	[tilespmem:s28], [sflag:$0x4] =	stream.indirect.gather [hbm4b:s3+s15], $0x40, s13, s15, $0xb8;
	[tilespmem:$0x12800] =	vst v63  }
0x3a: {  	_ =	swait.ge [sflag:s29], $0x2000  }
0x3b: {  	[sflag:s29] =	ssyncset.done $0x0  }
0x3c: {  	s14 =	rddreg [dreg:$0xe];
	[sflag:s29] =	ssyncadd.s32 $0xFFFFE000  }
0x3d: {  	[hbm4b:s14+s2] =	stream.linear.scatter [tilespmem:s19], [sflag:$0xD], $0x2000, $0x38;
	[tilespmem:$0x12800] =	vst v63  }
0x3e: {  	s12 =	simm.s32 $0x300  }
0x3f: {  	[tilespmem:s31], [sflag:$0x6] =	stream.indirect.gather [hbm4b:s3+s15], $0x40, s12, s15, $0xb8;
	[tilespmem:$0x12800] =	vst v63  }
0x40: {  	_ =	swait.ge [sflag:s1], $0x2000  }
0x41: {  	[sflag:s1] =	ssyncset.done $0x0  }
0x42: {  	s13 =	rddreg [dreg:$0xf];
	[sflag:s1] =	ssyncadd.s32 $0xFFFFE000  }
0x43: {  	[hbm4b:s13+s2] =	stream.linear.scatter [tilespmem:s21], [sflag:$0xF], $0x2000, $0x38;
	[tilespmem:$0x12800] =	vst v63  }
0x44: {  	s14 =	simm.s32 $0x380  }
0x45: {  	[tilespmem:s18], [sflag:$0x8] =	stream.indirect.gather [hbm4b:s3+s15], $0x40, s14, s15, $0xb8;
	[tilespmem:$0x12800] =	vst v63  }
0x46: {  	_ =	swait.ge [sflag:s20], $0x2000  }
0x47: {  	s12 =	rddreg [dreg:$0x3];
	[sflag:s20] =	ssyncset.done $0x0  }
0x48: {  	[sflag:s20] =	ssyncadd.s32 $0xFFFFE000;
	s4 =	sadd.s32 $0x0, s12  }
0x49: {  	[hbm4b:s4+s2] =	stream.linear.scatter [tilespmem:s24], [sflag:$0xA], $0x2000, $0x38;
	[tilespmem:$0x12800] =	vst v63  }
0x4a: {  	_ =	swait.ge [sflag:s23], $0x2000  }
0x4b: {  	[sflag:s23] =	ssyncset.done $0x0  }
0x4c: {  	s13 =	simm.s32 $0x400;
	[sflag:s23] =	ssyncadd.s32 $0xFFFFE000  }
0x4d: {  	[tilespmem:s16], [sflag:$0x1] =	stream.indirect.gather [hbm4b:s3+s15], $0x40, s13, s15, $0xb8;
	[tilespmem:$0x12800] =	vst v63  }
0x4e: {  	_ =	swait.ge [sflag:s26], $0x2000  }
0x4f: {  	s14 =	rddreg [dreg:$0x6];
	[sflag:s26] =	ssyncset.done $0x0  }
0x50: {  	[sflag:s26] =	ssyncadd.s32 $0xFFFFE000;
	s4 =	sadd.s32 $0x0, s14  }
0x51: {  	[hbm4b:s4+s2] =	stream.linear.scatter [tilespmem:s28], [sflag:$0xC], $0x2000, $0x38;
	[tilespmem:$0x12800] =	vst v63  }
0x52: {  	_ =	swait.ge [sflag:s30], $0x2000  }
0x53: {  	[sflag:s30] =	ssyncset.done $0x0  }
0x54: {  	s12 =	simm.s32 $0x480;
	[sflag:s30] =	ssyncadd.s32 $0xFFFFE000  }
0x55: {  	[tilespmem:s17], [sflag:$0x3] =	stream.indirect.gather [hbm4b:s3+s15], $0x40, s12, s15, $0xb8;
	[tilespmem:$0x12800] =	vst v63  }
0x56: {  	_ =	swait.ge [sflag:s0], $0x2000  }
0x57: {  	s13 =	rddreg [dreg:$0x5];
	[sflag:s0] =	ssyncset.done $0x0  }
0x58: {  	[sflag:s0] =	ssyncadd.s32 $0xFFFFE000;
	s4 =	sadd.s32 $0x0, s13  }
0x59: {  	[hbm4b:s4+s2] =	stream.linear.scatter [tilespmem:s31], [sflag:$0xE], $0x2000, $0x38;
	[tilespmem:$0x12800] =	vst v63  }
0x5a: {  	_ =	swait.ge [sflag:s5], $0x2000  }
0x5b: {  	[sflag:s5] =	ssyncset.done $0x0  }
0x5c: {  	s14 =	simm.s32 $0x500;
	[sflag:s5] =	ssyncadd.s32 $0xFFFFE000  }
0x5d: {  	[tilespmem:s19], [sflag:$0x5] =	stream.indirect.gather [hbm4b:s3+s15], $0x40, s14, s15, $0xb8;
	[tilespmem:$0x12800] =	vst v63  }
0x5e: {  	_ =	swait.ge [sflag:s6], $0x2000  }
0x5f: {  	s12 =	rddreg [dreg:$0x4];
	[sflag:s6] =	ssyncset.done $0x0  }
0x60: {  	[sflag:s6] =	ssyncadd.s32 $0xFFFFE000;
	s4 =	sadd.s32 $0x0, s12  }
0x61: {  	[hbm4b:s4+s2] =	stream.linear.scatter [tilespmem:s18], [sflag:$0x10], $0x2000, $0x38;
	[tilespmem:$0x12800] =	vst v63  }
0x62: {  	_ =	swait.ge [sflag:s7], $0x2000  }
0x63: {  	[sflag:s7] =	ssyncset.done $0x0  }
0x64: {  	s13 =	simm.s32 $0x580;
	[sflag:s7] =	ssyncadd.s32 $0xFFFFE000  }
0x65: {  	[tilespmem:s21], [sflag:$0x7] =	stream.indirect.gather [hbm4b:s3+s15], $0x40, s13, s15, $0xb8;
	[tilespmem:$0x12800] =	vst v63  }
0x66: {  	_ =	swait.ge [sflag:s22], $0x2000  }
0x67: {  	s14 =	rddreg [dreg:$0x7];
	[sflag:s22] =	ssyncset.done $0x0  }
0x68: {  	[sflag:s22] =	ssyncadd.s32 $0xFFFFE000;
	s4 =	sadd.s32 $0x0, s14  }
0x69: {  	[hbm4b:s4+s2] =	stream.linear.scatter [tilespmem:s16], [sflag:$0x9], $0x2000, $0x38;
	[tilespmem:$0x12800] =	vst v63  }
0x6a: {  	_ =	swait.ge [sflag:s8], $0x2000  }
0x6b: {  	[sflag:s8] =	ssyncset.done $0x0  }
0x6c: {  	s12 =	simm.s32 $0x600;
	[sflag:s8] =	ssyncadd.s32 $0xFFFFE000  }
0x6d: {  	[tilespmem:s24], [sflag:$0x2] =	stream.indirect.gather [hbm4b:s3+s15], $0x40, s12, s15, $0xb8;
	[tilespmem:$0x12800] =	vst v63  }
0x6e: {  	_ =	swait.ge [sflag:s25], $0x2000  }
0x6f: {  	s13 =	rddreg [dreg:$0xa];
	[sflag:s25] =	ssyncset.done $0x0  }
0x70: {  	[sflag:s25] =	ssyncadd.s32 $0xFFFFE000;
	s4 =	sadd.s32 $0x0, s13  }
0x71: {  	[hbm4b:s4+s2] =	stream.linear.scatter [tilespmem:s17], [sflag:$0xB], $0x2000, $0x38;
	[tilespmem:$0x12800] =	vst v63  }
0x72: {  	_ =	swait.ge [sflag:s9], $0x2000  }
0x73: {  	[sflag:s9] =	ssyncset.done $0x0  }
0x74: {  	s14 =	simm.s32 $0x680;
	[sflag:s9] =	ssyncadd.s32 $0xFFFFE000  }
0x75: {  	[tilespmem:s28], [sflag:$0x4] =	stream.indirect.gather [hbm4b:s3+s15], $0x40, s14, s15, $0xb8;
	[tilespmem:$0x12800] =	vst v63  }
0x76: {  	_ =	swait.ge [sflag:s29], $0x2000  }
0x77: {  	s12 =	rddreg [dreg:$0x9];
	[sflag:s29] =	ssyncset.done $0x0  }
0x78: {  	[sflag:s29] =	ssyncadd.s32 $0xFFFFE000;
	s4 =	sadd.s32 $0x0, s12  }
0x79: {  	[hbm4b:s4+s2] =	stream.linear.scatter [tilespmem:s19], [sflag:$0xD], $0x2000, $0x38;
	[tilespmem:$0x12800] =	vst v63  }
0x7a: {  	_ =	swait.ge [sflag:s10], $0x2000  }
0x7b: {  	[sflag:s10] =	ssyncset.done $0x0  }
0x7c: {  	s13 =	simm.s32 $0x700;
	[sflag:s10] =	ssyncadd.s32 $0xFFFFE000  }
0x7d: {  	[tilespmem:s31], [sflag:$0x6] =	stream.indirect.gather [hbm4b:s3+s15], $0x40, s13, s15, $0xb8;
	[tilespmem:$0x12800] =	vst v63  }
0x7e: {  	_ =	swait.ge [sflag:s1], $0x2000  }
0x7f: {  	s14 =	rddreg [dreg:$0x8];
	[sflag:s1] =	ssyncset.done $0x0  }
0x80: {  	[sflag:s1] =	ssyncadd.s32 $0xFFFFE000;
	s4 =	sadd.s32 $0x0, s14  }
0x81: {  	[hbm4b:s4+s2] =	stream.linear.scatter [tilespmem:s21], [sflag:$0xF], $0x2000, $0x38;
	[tilespmem:$0x12800] =	vst v63  }
0x82: {  	_ =	swait.ge [sflag:s11], $0x2000  }
0x83: {  	s13 =	simm.s32 $0x2000;
	[sflag:s11] =	ssyncset.done $0x0  }
0x84: {  	s14 =	simm.s32 $0x780;
	s4 =	simm.s32 $0x800;
	[sflag:s11] =	ssyncadd.s32 $0xFFFFE000  }
.LBB2_2:
0x85: {  	[tilespmem:s18], [sflag:$0x8] =	stream.indirect.gather [hbm4b:s3+s15], $0x40, s14, s15, $0xb8;
	[tilespmem:$0x12800] =	vst v63  }
0x86: {  	_ =	swait.ge [sflag:s20], $0x2000  }
0x87: {  	s14 =	smov.u32 s13;
	s12 =	rddreg [dreg:$0x3];
	[sflag:s20] =	ssyncset.done $0x0  }
0x88: {  	[sflag:s20] =	ssyncadd.s32 $0xFFFFE000;
	s12 =	sadd.s32 s14, s12  }
0x89: {  	[hbm4b:s12+s2] =	stream.linear.scatter [tilespmem:s24], [sflag:$0xA], $0x2000, $0x38;
	[tilespmem:$0x12800] =	vst v63  }
0x8a: {  	_ =	swait.ge [sflag:s23], $0x2000  }
0x8b: {  	[sflag:s23] =	ssyncset.done $0x0  }
0x8c: {  	[sflag:s23] =	ssyncadd.s32 $0xFFFFE000  }
0x8d: {  	[tilespmem:s16], [sflag:$0x1] =	stream.indirect.gather [hbm4b:s3+s15], $0x40, s4, s15, $0xb8;
	[tilespmem:$0x12800] =	vst v63  }
0x8e: {  	_ =	swait.ge [sflag:s26], $0x2000  }
0x8f: {  	s12 =	rddreg [dreg:$0x6];
	[sflag:s26] =	ssyncset.done $0x0  }
0x90: {  	[sflag:s26] =	ssyncadd.s32 $0xFFFFE000;
	s12 =	sadd.s32 s14, s12  }
0x91: {  	[hbm4b:s12+s2] =	stream.linear.scatter [tilespmem:s28], [sflag:$0xC], $0x2000, $0x38;
	[tilespmem:$0x12800] =	vst v63  }
0x92: {  	_ =	swait.ge [sflag:s30], $0x2000  }
0x93: {  	[sflag:s30] =	ssyncset.done $0x0  }
0x94: {  	s12 =	sadd.s32 $0x80, s4;
	[sflag:s30] =	ssyncadd.s32 $0xFFFFE000  }
0x95: {  	[tilespmem:s17], [sflag:$0x3] =	stream.indirect.gather [hbm4b:s3+s15], $0x40, s12, s15, $0xb8;
	[tilespmem:$0x12800] =	vst v63  }
0x96: {  	_ =	swait.ge [sflag:s0], $0x2000  }
0x97: {  	s12 =	rddreg [dreg:$0x5];
	[sflag:s0] =	ssyncset.done $0x0  }
0x98: {  	[sflag:s0] =	ssyncadd.s32 $0xFFFFE000;
	s12 =	sadd.s32 s14, s12  }
0x99: {  	[hbm4b:s12+s2] =	stream.linear.scatter [tilespmem:s31], [sflag:$0xE], $0x2000, $0x38;
	[tilespmem:$0x12800] =	vst v63  }
0x9a: {  	_ =	swait.ge [sflag:s5], $0x2000  }
0x9b: {  	[sflag:s5] =	ssyncset.done $0x0  }
0x9c: {  	s12 =	sadd.s32 $0x100, s4;
	[sflag:s5] =	ssyncadd.s32 $0xFFFFE000  }
0x9d: {  	[tilespmem:s19], [sflag:$0x5] =	stream.indirect.gather [hbm4b:s3+s15], $0x40, s12, s15, $0xb8;
	[tilespmem:$0x12800] =	vst v63  }
0x9e: {  	_ =	swait.ge [sflag:s6], $0x2000  }
0x9f: {  	s12 =	rddreg [dreg:$0x4];
	[sflag:s6] =	ssyncset.done $0x0  }
0xa0: {  	[sflag:s6] =	ssyncadd.s32 $0xFFFFE000;
	s12 =	sadd.s32 s14, s12  }
0xa1: {  	[hbm4b:s12+s2] =	stream.linear.scatter [tilespmem:s18], [sflag:$0x10], $0x2000, $0x38;
	[tilespmem:$0x12800] =	vst v63  }
0xa2: {  	_ =	swait.ge [sflag:s7], $0x2000  }
0xa3: {  	[sflag:s7] =	ssyncset.done $0x0  }
0xa4: {  	s12 =	sadd.s32 $0x180, s4;
	[sflag:s7] =	ssyncadd.s32 $0xFFFFE000  }
0xa5: {  	[tilespmem:s21], [sflag:$0x7] =	stream.indirect.gather [hbm4b:s3+s15], $0x40, s12, s15, $0xb8;
	[tilespmem:$0x12800] =	vst v63  }
0xa6: {  	_ =	swait.ge [sflag:s22], $0x2000  }
0xa7: {  	s12 =	rddreg [dreg:$0x7];
	[sflag:s22] =	ssyncset.done $0x0  }
0xa8: {  	[sflag:s22] =	ssyncadd.s32 $0xFFFFE000;
	s12 =	sadd.s32 s14, s12  }
0xa9: {  	[hbm4b:s12+s2] =	stream.linear.scatter [tilespmem:s16], [sflag:$0x9], $0x2000, $0x38;
	[tilespmem:$0x12800] =	vst v63  }
0xaa: {  	_ =	swait.ge [sflag:s8], $0x2000  }
0xab: {  	[sflag:s8] =	ssyncset.done $0x0  }
0xac: {  	s12 =	sadd.s32 $0x200, s4;
	[sflag:s8] =	ssyncadd.s32 $0xFFFFE000  }
0xad: {  	[tilespmem:s24], [sflag:$0x2] =	stream.indirect.gather [hbm4b:s3+s15], $0x40, s12, s15, $0xb8;
	[tilespmem:$0x12800] =	vst v63  }
0xae: {  	_ =	swait.ge [sflag:s25], $0x2000  }
0xaf: {  	s12 =	rddreg [dreg:$0xa];
	[sflag:s25] =	ssyncset.done $0x0  }
0xb0: {  	[sflag:s25] =	ssyncadd.s32 $0xFFFFE000;
	s12 =	sadd.s32 s14, s12  }
0xb1: {  	[hbm4b:s12+s2] =	stream.linear.scatter [tilespmem:s17], [sflag:$0xB], $0x2000, $0x38;
	[tilespmem:$0x12800] =	vst v63  }
0xb2: {  	_ =	swait.ge [sflag:s9], $0x2000  }
0xb3: {  	[sflag:s9] =	ssyncset.done $0x0  }
0xb4: {  	s12 =	sadd.s32 $0x280, s4;
	[sflag:s9] =	ssyncadd.s32 $0xFFFFE000  }
0xb5: {  	[tilespmem:s28], [sflag:$0x4] =	stream.indirect.gather [hbm4b:s3+s15], $0x40, s12, s15, $0xb8;
	[tilespmem:$0x12800] =	vst v63  }
0xb6: {  	_ =	swait.ge [sflag:s29], $0x2000  }
0xb7: {  	s12 =	rddreg [dreg:$0x9];
	[sflag:s29] =	ssyncset.done $0x0  }
0xb8: {  	[sflag:s29] =	ssyncadd.s32 $0xFFFFE000;
	s12 =	sadd.s32 s14, s12  }
0xb9: {  	[hbm4b:s12+s2] =	stream.linear.scatter [tilespmem:s19], [sflag:$0xD], $0x2000, $0x38;
	[tilespmem:$0x12800] =	vst v63  }
0xba: {  	_ =	swait.ge [sflag:s10], $0x2000  }
0xbb: {  	[sflag:s10] =	ssyncset.done $0x0  }
0xbc: {  	s12 =	sadd.s32 $0x300, s4;
	[sflag:s10] =	ssyncadd.s32 $0xFFFFE000  }
0xbd: {  	[tilespmem:s31], [sflag:$0x6] =	stream.indirect.gather [hbm4b:s3+s15], $0x40, s12, s15, $0xb8;
	[tilespmem:$0x12800] =	vst v63  }
0xbe: {  	_ =	swait.ge [sflag:s1], $0x2000  }
0xbf: {  	p0 =	sne.s32 s13, $0x10000;
	s12 =	rddreg [dreg:$0x8];
	[sflag:s1] =	ssyncset.done $0x0  }
.Ltmp0:
0xc0: {  	[sflag:s1] =	ssyncadd.s32 $0xFFFFE000;
	s12 =	sadd.s32 s14, s12;
	(pc) =	sbr.rel @p0 .LBB2_2-.Ltmp0, $4  }
0xc1: {  	[hbm4b:s12+s2] =	stream.linear.scatter [tilespmem:s21], [sflag:$0xF], $0x2000, $0x38;
	[tilespmem:$0x12800] =	vst v63  }
0xc2: {  	_ =	swait.ge [sflag:s11], $0x2000  }
0xc3: {  	s13 =	sadd.s32 $0x2000, s13;
	[sflag:s11] =	ssyncset.done $0x0  }
0xc4: {  	s14 =	sadd.s32 $0x380, s4;
	s4 =	sadd.s32 $0x400, s4;
	[sflag:s11] =	ssyncadd.s32 $0xFFFFE000  }
0xc5: {  	[tilespmem:s18], [sflag:$0x8] =	stream.indirect.gather [hbm4b:s3+s15], $0x40, s14, s15, $0xb8;
	[tilespmem:$0x12800] =	vst v63  }
0xc6: {  	_ =	swait.ge [sflag:s20], $0x2000  }
0xc7: {  	[sflag:s20] =	ssyncset.done $0x0  }
0xc8: {  	s4 =	rddreg [dreg:$0x10];
	[sflag:s20] =	ssyncadd.s32 $0xFFFFE000  }
0xc9: {  	[hbm4b:s4+s2] =	stream.linear.scatter [tilespmem:s24], [sflag:$0xA], $0x2000, $0x38;
	[tilespmem:$0x12800] =	vst v63  }
0xca: {  	_ =	swait.ge [sflag:s23], $0x2000  }
0xcb: {  	[sflag:s23] =	ssyncset.done $0x0  }
0xcc: {  	[sflag:s23] =	ssyncadd.s32 $0xFFFFE000  }
0xcd: {  	_ =	swait.ge [sflag:s26], $0x2000  }
0xce: {  	[sflag:s26] =	ssyncset.done $0x0  }
0xcf: {  	s14 =	rddreg [dreg:$0x11];
	[sflag:s26] =	ssyncadd.s32 $0xFFFFE000  }
0xd0: {  	[hbm4b:s14+s2] =	stream.linear.scatter [tilespmem:s28], [sflag:$0xC], $0x2000, $0x38;
	[tilespmem:$0x12800] =	vst v63  }
0xd1: {  	_ =	swait.ge [sflag:s30], $0x2000  }
0xd2: {  	[sflag:s30] =	ssyncset.done $0x0  }
0xd3: {  	[sflag:s30] =	ssyncadd.s32 $0xFFFFE000  }
0xd4: {  	_ =	swait.ge [sflag:s0], $0x2000  }
0xd5: {  	[sflag:s0] =	ssyncset.done $0x0  }
0xd6: {  	s12 =	rddreg [dreg:$0x12];
	[sflag:s0] =	ssyncadd.s32 $0xFFFFE000  }
0xd7: {  	[hbm4b:s12+s2] =	stream.linear.scatter [tilespmem:s31], [sflag:$0xE], $0x2000, $0x38;
	[tilespmem:$0x12800] =	vst v63  }
0xd8: {  	_ =	swait.ge [sflag:s5], $0x2000  }
0xd9: {  	[sflag:s5] =	ssyncset.done $0x0  }
0xda: {  	[sflag:s5] =	ssyncadd.s32 $0xFFFFE000  }
0xdb: {  	_ =	swait.ge [sflag:s6], $0x2000  }
0xdc: {  	[sflag:s6] =	ssyncset.done $0x0  }
0xdd: {  	s13 =	rddreg [dreg:$0x13];
	[sflag:s6] =	ssyncadd.s32 $0xFFFFE000  }
0xde: {  	[hbm4b:s13+s2] =	stream.linear.scatter [tilespmem:s18], [sflag:$0x10], $0x2000, $0x38;
	[tilespmem:$0x12800] =	vst v63  }
0xdf: {  	_ =	swait.ge [sflag:s7], $0x2000  }
0xe0: {  	[sflag:s7] =	ssyncset.done $0x0  }
0xe1: {  	[sflag:s7] =	ssyncadd.s32 $0xFFFFE000  }
0xe2: {  	_ =	swait.ge [sflag:s8], $0x2000  }
0xe3: {  	[sflag:s8] =	ssyncset.done $0x0  }
0xe4: {  	[sflag:s8] =	ssyncadd.s32 $0xFFFFE000  }
0xe5: {  	_ =	swait.ge [sflag:s9], $0x2000  }
0xe6: {  	[sflag:s9] =	ssyncset.done $0x0  }
0xe7: {  	[sflag:s9] =	ssyncadd.s32 $0xFFFFE000  }
0xe8: {  	_ =	swait.ge [sflag:s10], $0x2000  }
0xe9: {  	[sflag:s10] =	ssyncset.done $0x0  }
0xea: {  	[sflag:s10] =	ssyncadd.s32 $0xFFFFE000  }
0xeb: {  	_ =	swait.ge [sflag:s11], $0x2000  }
0xec: {  	s12 =	rddreg [dreg:$0x15]  }
0xed: {  	s14 =	rddreg [dreg:$0x14];
	s12 =	sadd.s32 $0x1, s12  }
0xee: {  	p0 =	sne.s32 s12, s14  }
.Ltmp1:
0xef: {  	_ = 	snop;
	(pc) =	sbr.rel @p0 .LBB2_1-.Ltmp1, $3  }
0xf0: {  	_ =	sdelay $0x1  }
0xf1: {  	[sflag:s11] =	ssyncset.done $0x0  }
0xf2: {  	[sflag:s11] =	ssyncadd.s32 $0xFFFFE000  }
0xf3: {  	_ =	sfence.sel $0x180000  }
0xf4: {  	[bflag:$0x0] =	sbarrier.arrive $0xFFFF  }
0xf5: {  	_ =	strace $0x90000047  }
0xf6: {  	s0 =	stileid.u32;
	[bflag:$0x2] =	sbarrier.arrive $0xFFFF  }
0xf7: {  	p0 =	sne.s32 s0, $0x0;
	s0 =	rddreg [dreg:$0x2]  }
0xf8: {  	s0 =	sadd.s32 @!p0 $0x100000, s0  }
0xf9: {  	[sflag:s0] =	ssyncadd.tile.s32 @!p0 $0x1;
	_ =	shalt  }
.Lfunc_end2:
_tile_overlayer_lowered:
.L_overlay_start_2:
0xfa: {  	(tag) =	ssettag $0x2  }
0xfb: {  	s0 =	rddreg [dreg:$0x0];
	s2 =	stileid.u32  }
0xfc: {  	s1 =	rddreg [dreg:$0x1];
	p0 =	sne.s32 s2, $0x0  }
0xfd: {  	s3 =	rddreg [dreg:$0x2];
	[bflag:$0x3] =	sbarrier.arrive $0xFFFF;
	s2 =	simm.s32 @!p0 $0x1C11  }
0xfe: {  	[timem:s3], [sflag:s2] =	dma.local @!p0 [hbm:s0], s1  }
0xff: {  	s0 =	simm.s32 @!p0 $0x11  }
0x100: {  	_ =	swait.ge @!p0 [sflag:s0], s1  }
0x101: {  	s1 =	ssub.s32 @!p0 $0x0, s1;
	[sflag:s0] =	ssyncset.done @!p0 $0x0  }
0x102: {  	[sflag:s0] =	ssyncadd.s32 @!p0 s1  }
0x103: {  	[bflag:$0x3] =	sbarrier.arrive $0xFFFF  }
0x104: {  	_ =	shalt  }

// kernel: sparse-core-data-format-call.cloned.1.call-start
scs
called_computation_lowered:
.L_overlay_start_0:
0x0: {  	s2 =	sld [smem:$0x3FD9]  }
0x1: {  	s3 =	sld [smem:$0x3FFE];
	_ =	sdelay $0x1  }
0x2: {  	s1 =	srdreg.scid  }
0x3: {  	s0 =	sand.u32 $0x1, s1  }
0x4: {  	s18 =	sshll.u32 s0, $0xA;
	s2 =	sadd.s32 s3, s2  }
0x5: {  	s2 =	sadd.s32 s2, s18  }
0x6: {  	[smem:$0x3FC6] =	sst s2  }
0x7: {  	_ = 	snop  }
0x8: {  	s2 =	sld [smem:$0x3FD0];
	(tm) =	ssettm $0x1  }
0x9: {  	s19 =	sld [smem:$0x3FFB];
	_ =	sdelay $0x3  }
0xa: {  	_ =	strace s19  }
0xb: {  	s3 =	sld [smem:$0x3FFC];
	_ =	sdelay $0x3  }
0xc: {  	_ =	strace s3  }
0xd: {  	s3 =	sld [smem:$0x3FFD];
	_ =	sdelay $0x3  }
0xe: {  	_ =	strace s3  }
0xf: {  	_ =	strace $0x8FFFFFFF  }
0x10: {  	s20 =	sld [smem:$0x3FDB];
	_ =	sdelay $0x1  }
0x11: {  	s4 =	simm.s32 $_scs_section_size  }
0x12: {  	s5 =	simm.s32 $_size__tile_overlayer_lowered;
	s6 =	simm.s32 $_tile_overlayer_lowered  }
0x13: {  	s23 =	simm.s32 $0x1BFF;
	s22 =	sshll.u32 s6, $0x1;
	s3 =	sadd.s32 s4, s20  }
0x14: {  	s7 =	simm.s32 $0x0;
	s21 =	sshll.u32 s5, $0x1;
	s5 =	sadd.s32 s22, s3  }
0x15: {  	[timem:s7], [sflag:s23] =	dma.local [hbm:s5], s21  }
0x16: {  	_ =	swait.ge [sflag:s23], s21  }
0x17: {  	s4 =	ssub.s32 $0x0, s21;
	[sflag:s23] =	ssyncset.done $0x0  }
0x18: {  	[sflag:s23] =	ssyncadd.s32 s4;
	_ =	sdelay $0x1  }
0x19: {  	s24 =	simm.s32 $0x1B8B  }
0x1a: {  	_ =	swait.ge [sflag:s24], $0x1  }
0x1b: {  	[sflag:s24] =	ssyncset.done $0x0  }
0x1c: {  	s26 =	simm.s32 $0x1B8E;
	s25 =	sld [smem:$0x3FFE];
	[sflag:s24] =	ssyncadd.s32 $0xFFFFFFFF  }
0x1d: {  	s27 =	simm.s32 $execute0_lowered;
	[smem:$0x3FD2] =	sst s26  }
0x1e: {  	s5 =	sshll.u32 s27, $0x1;
	_ =	strace $0x80000049;
	[dreg:$0x1] =	wrdreg $0xFFFFFFFF  }
0x1f: {  	s28 =	simm.s32 $_size_execute0_lowered;
	s3 =	sadd.s32 s3, s5;
	[dreg:$0x0] =	wrdreg $0x0  }
0x20: {  	s5 =	sshll.u32 s28, $0x1;
	[dreg:$0x2] =	wrdreg s3  }
0x21: {  	[dreg:$0x3] =	wrdreg s5  }
0x22: {  	[dreg:$0x4] =	wrdreg $0xC0  }
0x23: {  	_ =	task [dreg:s7], $0x5FFFF  }
0x24: {  	[dreg:$0x1] =	wrdreg $0xFFFFFFFF  }
0x25: {  	[dreg:$0x0] =	wrdreg $0x60  }
0x26: {  	[dreg:$0x2] =	wrdreg s25  }
0x27: {  	[dreg:$0x3] =	wrdreg s2  }
0x28: {  	[dreg:$0x4] =	wrdreg $0x9  }
0x29: {  	_ =	task.clear_ibuf [dreg:s7], $0x5FFFF;
	_ =	strace $0x90000049  }
0x2a: {  	s29 =	simm.s32 $0x9;
	_ =	strace $0x8000004B  }
0x2b: {  	_ =	swait.ge [sflag:s29], $0x1  }
0x2c: {  	[sflag:s29] =	ssyncadd.s32 $0xFFFFFFFF  }
0x2d: {  	_ =	strace $0x9000004B  }
0x2e: {  	_ =	sfence  }
0x2f: {  	s30 =	sld [smem:$0x0];
	_ =	sdelay $0x2  }
0x30: {  	s31 =	sshll.u32 s1, $0xD;
	s1 =	sshrl.u32 s1, $0x2  }
0x31: {  	s3 =	sand.u32 $0x4000, s31;
	s1 =	sadd.s32 s1, s30  }
0x32: {  	s0 =	sor.u32 s3, s0;
	s1 =	sshll.u32 s1, $0x11  }
0x33: {  	s0 =	sor.u32 s1, s0  }
0x34: {  	s0 =	sadd.s32 $0x8F2B, s0  }
0x35: {  	[sflag:s0] =	ssyncadd.remote.s32 $0x1  }
0x36: {  	_ =	sfence.sel $0xFFFF  }
0x37: {  	[dreg:$0x0] =	wrdreg $0xFFFFFFFF;
	(pc) =	sbr.abs _section_cstart, $3  }
0x38: {  	[dreg:$0x1] =	wrdreg $0xFFFFFFFF  }
0x39: {  	_ =	task.clear_ibuf [dreg:s7], $0x2FFFF;
	_ =	strace $0x9FFFFFFF  }
0x3a: {  	(tm) =	ssettm $0x7FFFFFFF  }
0x3b: {  	_ =	shalt  }
tec
execute0_lowered:
.L_overlay_start_1:
0x0: {  	(tag) =	ssettag $0x1  }
0x1: {  	s0 =	srdreg.scid  }
0x2: {  	s1 =	sshll.u32 s0, $0x4  }
0x3: {  	s0 =	stileid.u32;
	s1 =	sand.u32 $0x10, s1  }
0x4: {  	s1 =	sor.u32 s0, s1  }
0x5: {  	s6 =	rddreg [dreg:$0x0];
	s4 =	simm.s32 $0x1;
	s2 =	sshll.u32 s1, $0x7  }
0x6: {  	s7 =	simm.s32 $0x2;
	s12 =	simm.s32 $0x0;
	s1 =	ssub.s32 $0x4000, s2  }
0x7: {  	s8 =	simm.s32 $0x20000;
	s13 =	simm.s32 $0x0;
	s3 =	sand.u32 $0xF80, s1  }
0x8: {  	s9 =	simm.s32 $0x0;
	s5 =	sshrl.u32 s1, $0xC;
	p0 =	sne.s32 s3, $0x0  }
.Ltmp0:
0x9: {  	s1 =	rddreg [dreg:$0x2];
	s4 =	simm.s32 @!p0 $0x0;
	(pc) =	sbr.rel .LBB1_1-.Ltmp0, $4  }
0xa: {  	s11 =	simm.s32 $0x0;
	s3 =	rddreg [dreg:$0x1];
	s5 =	sadd.s32 s4, s5  }
0xb: {  	_ =	strace $0x8000004A;
	s4 =	simm.s32 $0x1;
	s5 =	smul.u32 $0x14, s5  }
0xc: {  	s6 =	sadd.s32 $0xA00, s6;
	s10 =	smov.u32 s2;
	[sflag:s4] =	ssyncpa.u1 $0x0  }
0xd: {  	p0 =	por $0x0, $0x0;
	[sflag:s7] =	ssyncpa.u1 $0x0;
	s7 =	sor.u32 $0x1, s5  }
.LBB1_4:
0xe: {  	s16 =	sshll.u32 s13, $0x3;
	s17 =	sand.u32 $0x78, s13  }
0xf: {  	s30 =	sand.u32 $0x1F800, s13;
	s12 =	sshll.u32 s12, $0x11;
	s16 =	sand.u32 $0x3C00, s16  }
0x10: {  	[tilespmem:s15+$0x810 ss:$0x81] =	vst.msk $0xffff, v2;
	s31 =	sand.u32 $0x7, s13;
	s16 =	sor.u32 s17, s16;
	s17 =	sadd.s32 s3, s30  }
0x11: {  	[tilespmem:s15+$0x1020 ss:$0x81] =	vst.msk $0xffff, v0;
	s13 =	sshll.u32 s31, $0x12;
	s12 =	sadd.s32 s12, s17;
	s16 =	sshrl.u32 s16, $0x3  }
0x12: {  	[tilespmem:s15+$0x0 ss:$0x81] =	vst.msk $0xffff, v1;
	s13 =	sor.u32 $0x400, s13;
	s12 =	sadd.s32 s16, s12  }
0x13: {  	[hbm4b:s12+s13] =	stream.strided.scatter [tilespmem:s14], [sflag:$0x2], $0x2000, s8, s13, $0x20;
	[tilespmem:$0x8080] =	vst v63  }
.LBB1_5:
0x14: {  	s14 =	sadd.s32 $0x1, s9  }
0x15: {  	s12 =	sadd.s32 $0x1000, s10;
	s16 =	smov.u32 s10;
	p2 =	sgt.s32 s14, $0x13  }
0x16: {  	s16 =	smov.u32 @p2 s12  }
0x17: {  	s14 =	simm.s32 @p2 $0x0;
	p2 =	sgt.s32 s16, $0x3FFF  }
0x18: {  	s16 =	smov.u32 @p2 s2;
	p2 =	sne.s32 s11, s7  }
.Ltmp1:
0x19: {  	p1 =	slt.u32 s11, $0x2;
	(pc) =	sbr.rel @!p2 .LBB1_6-.Ltmp1, $4  }
0x1a: {  	s15 =	simm.s32 @!p1 $0x2  }
0x1b: {  	s13 =	smov.u32 s10;
	p0 =	por !p0, !p0;
	_ =	swait.ge @!p1 [sflag:s15], $0x2000  }
0x1c: {  	s12 =	smov.u32 s9;
	[sflag:s15] =	ssyncset.done @!p1 $0x0;
	s9 =	smov.u32 s14  }
0x1d: {  	s11 =	sadd.s32 $0x1, s11;
	[sflag:s15] =	ssyncadd.s32 @!p1 $0xFFFFE000;
	s10 =	smov.u32 s16  }
.LBB1_1:
0x1e: {  	p1 =	sge.u32 s11, s5  }
0x1f: {  	s14 =	sand.u32 @!p1 $0x1FFFFFF, s9  }
0x20: {  	s15 =	smulhi.u32 @!p1 $0xAAAAAAB, s14;
	_ =	sdelay $0x1  }
0x21: {  	s15 =	smul.u32 @!p1 $0x18, s15  }
0x22: {  	s16 =	sxor.u32 @!p1 $0xFFFFFFFF, s11;
	s17 =	smul.u32 @!p1 $0x180, s10  }
0x23: {  	s31 =	sadd.s32 $0xFFFFFFFF, s11;
	s16 =	sshll.u32 @!p1 s16, $0xD;
	s14 =	ssub.s32 @!p1 s14, s15  }
0x24: {  	s15 =	sand.u32 @!p1 $0x2000, s16;
	s16 =	sadd.s32 @!p1 s6, s17;
	s14 =	sshll.u32 @!p1 s14, $0x4  }
0x25: {  	s17 =	simm.s32 @!p1 $0xC00;
	s14 =	sadd.s32 @!p1 s14, s16;
	s16 =	simm.s32 @!p1 $0x40  }
0x26: {  	[tilespmem:s15], [sflag:$0x1] =	stream.strided.gather @!p1 [hbm4b:s14+s16], $0x2000, s17, s16, $0x38;
	[tilespmem:$0x8080] =	vst v63  }
0x27: {  	p1 =	sge.u32 s31, s5  }
.Ltmp2:
0x28: {  	_ = 	snop;
	(pc) =	sbr.rel @p1 .LBB1_5-.Ltmp2, $1  }
0x29: {  	_ =	sdelay $0x3  }
0x2a: {  	s14 =	simm.s32 $0x1  }
0x2b: {  	_ =	swait.ge [sflag:s4], $0x2000;
	s14 =	simm.s32 @!p0 $0x0  }
0x2c: {  	[sflag:s4] =	ssyncset.done $0x0;
	s15 =	sshll.u32 s14, $0xD  }
0x2d: {  	[sflag:s4] =	ssyncadd.s32 $0xFFFFE000;
	s18 =	sor.u32 $0x20, s15  }
0x2e: {  	s14 =	smul.u32 $0x8100, s14;
	v3 =	vld [tilespmem:s18+$0x10]  }
0x2f: {  	s30 =	sand.u32 $0x1, s11;
	v2 =	vld [tilespmem:s18+$0xFFFFFFF0]  }
0x30: {  	s15 =	smul.u32 $0x8100, s30;
	s14 =	sshrl.u32 s14, $0x2;
	v0 =	vld [tilespmem:s18+$0x0]  }
0x31: {  	v1 =	vld [tilespmem:s18+$0xFFFFFFE0];
	s16 =	sor.u32 $0x4000, s14  }
0x32: {  	s31 =	sshrl.u32 s15, $0x2;
	s15 =	sadd.s32 $0x0, s16  }
0x33: {  	s17 =	simm.s32 $0x4;
	s18 =	sadd.s32 $0x40, s18;
	s14 =	sor.u32 $0x4000, s31;
	[tilespmem:s15+$0x1830 ss:$0x81] =	vst.msk $0xffff, v3  }
.LBB1_3:
0x34: {  	v3 =	vld [tilespmem:s18+$0x10];
	p1 =	sne.s32 s17, $0x1FC;
	[tilespmem:s15+$0x810 ss:$0x81] =	vst.msk $0xffff, v2;
	s19 =	smov.u32 s17;
	s17 =	sadd.s32 $0x4, s17  }
.Ltmp3:
0x35: {  	v2 =	vld [tilespmem:s18+$0xFFFFFFF0];
	[tilespmem:s15+$0x1020 ss:$0x81] =	vst.msk $0xffff, v0;
	(pc) =	sbr.rel @p1 .LBB1_3-.Ltmp3, $4  }
0x36: {  	v0 =	vld [tilespmem:s18+$0x0];
	[tilespmem:s15+$0x0 ss:$0x81] =	vst.msk $0xffff, v1  }
0x37: {  	s15 =	sshra.s32 s19, $0x2;
	v1 =	vld [tilespmem:s18+$0xFFFFFFE0]  }
0x38: {  	s15 =	sadd.s32 s15, s16  }
0x39: {  	s18 =	sadd.s32 $0x40, s18;
	[tilespmem:s15+$0x1830 ss:$0x81] =	vst.msk $0xffff, v3  }
.Ltmp4:
0x3a: {  	_ = 	snop;
	(pc) =	sbr.rel .LBB1_4-.Ltmp4, $1  }
0x3b: {  	_ =	sdelay $0x3  }
.LBB1_6:
0x3c: {  	_ =	sfence.sel $0x180000  }
0x3d: {  	s2 =	simm.s32 $0x1;
	[bflag:$0x0] =	sbarrier.arrive $0xFFFF  }
0x3e: {  	s31 =	simm.s32 $0x2;
	[sflag:s2] =	ssyncpa.u1 $0x1  }
0x3f: {  	[sflag:s31] =	ssyncpa.u1 $0x1  }
0x40: {  	p0 =	sne.s32 s0, $0x0;
	_ =	strace $0x9000004A  }
0x41: {  	s0 =	sadd.s32 @!p0 $0x100000, s1;
	[bflag:$0x2] =	sbarrier.arrive $0xFFFF  }
0x42: {  	[sflag:s0] =	ssyncadd.tile.s32 @!p0 $0x1;
	_ =	shalt  }
.Lfunc_end1:
_tile_overlayer_lowered:
.L_overlay_start_2:
0x43: {  	(tag) =	ssettag $0x2  }
0x44: {  	s0 =	rddreg [dreg:$0x0];
	s2 =	stileid.u32  }
0x45: {  	s1 =	rddreg [dreg:$0x1];
	p0 =	sne.s32 s2, $0x0  }
0x46: {  	s3 =	rddreg [dreg:$0x2];
	[bflag:$0x3] =	sbarrier.arrive $0xFFFF;
	s2 =	simm.s32 @!p0 $0x1C01  }
0x47: {  	[timem:s3], [sflag:s2] =	dma.local @!p0 [hbm:s0], s1  }
0x48: {  	s0 =	simm.s32 @!p0 $0x1  }
0x49: {  	_ =	swait.ge @!p0 [sflag:s0], s1  }
0x4a: {  	s1 =	ssub.s32 @!p0 $0x0, s1;
	[sflag:s0] =	ssyncset.done @!p0 $0x0  }
0x4b: {  	[sflag:s0] =	ssyncadd.s32 @!p0 s1  }
0x4c: {  	[bflag:$0x3] =	sbarrier.arrive $0xFFFF  }
0x4d: {  	_ =	shalt  }

</sc_bundles>
